<compile_context>
chip_gen: v7x
topology: tpu7x:2x2x1
jax: 0.10.2.dev20260603
libtpu: 0.0.44.dev20260713+nightly
codegen_flags: <defaults>
</compile_context>

<pallas_src>
import jax
import jax.numpy as jnp
from jax import lax
from jax.experimental import pallas as pl
from jax.experimental.pallas import tpu as pltpu
from jax.experimental.pallas import tpu_sc as plsc

B, C, H, W, K = 16, 15, 128, 128, 128
HW = H * W
NCHAN = 5


def _sc_gather_body(wh_hbm, reg_hbm, ang_hbm, ind_hbm, out_hbm,
                    ind_v, i0, i1, i2, i3, i4, out_v, sem):
    wid = lax.axis_index("s") * 2 + lax.axis_index("c")

    @pl.when(wid < B)
    def _():
        b = wid
        pltpu.sync_copy(ind_hbm.at[b], ind_v)
        idx_refs = (i0, i1, i2, i3, i4)
        bases = (2 * b * HW, (2 * b + 1) * HW,
                 2 * b * HW, (2 * b + 1) * HW, b * HW)
        for j in range(K // 16):
            iv = ind_v[pl.ds(j * 16, 16)]
            for c in range(NCHAN):
                idx_refs[c][pl.ds(j * 16, 16)] = iv + bases[c]
        copies = [
            pltpu.async_copy(wh_hbm.at[i0], out_v.at[pl.ds(0 * K, K)], sem),
            pltpu.async_copy(wh_hbm.at[i1], out_v.at[pl.ds(1 * K, K)], sem),
            pltpu.async_copy(reg_hbm.at[i2], out_v.at[pl.ds(2 * K, K)], sem),
            pltpu.async_copy(reg_hbm.at[i3], out_v.at[pl.ds(3 * K, K)], sem),
            pltpu.async_copy(ang_hbm.at[i4], out_v.at[pl.ds(4 * K, K)], sem),
        ]
        for cp in copies:
            cp.wait()
        pltpu.sync_copy(out_v, out_hbm.at[b])


def _sc_gather(wh, reg, ang, ind):
    mesh = plsc.VectorSubcoreMesh(core_axis_name="c", subcore_axis_name="s")
    fn = pl.kernel(
        _sc_gather_body,
        mesh=mesh,
        compiler_params=pltpu.CompilerParams(needs_layout_passes=False),
        out_type=jax.ShapeDtypeStruct((B, NCHAN * K), jnp.float32),
        scratch_types=(
            [pltpu.VMEM((K,), jnp.int32)]
            + [pltpu.VMEM((K,), jnp.int32) for _ in range(NCHAN)]
            + [pltpu.VMEM((NCHAN * K,), jnp.float32),
               pltpu.SemaphoreType.DMA]
        ),
    )
    return fn(wh.reshape(B * 2 * HW), reg.reshape(B * 2 * HW),
              ang.reshape(B * HW), ind)


_FT = 40


def _focal_body(p_ref, t_ref, acc_ref):
    i = pl.program_id(0)

    @pl.when(i == 0)
    def _():
        acc_ref[...] = jnp.zeros_like(acc_ref)

    x = p_ref[...]
    gt = t_ref[...]
    pred = jnp.clip(jax.nn.sigmoid(x), 0.0001, 1.0 - 0.0001)
    g1 = 1.0 - gt
    g2 = g1 * g1
    neg_l = jnp.log(1.0 - pred) * (pred * pred) * (g2 * g2)
    acc_ref[...] += jnp.sum(neg_l, axis=0)


def _focal_call(hm, thm):
    grid = (B * C) // _FT
    return pl.pallas_call(
        _focal_body,
        grid=(grid,),
        in_specs=[
            pl.BlockSpec((_FT, H, W), lambda i: (i, 0, 0)),
            pl.BlockSpec((_FT, H, W), lambda i: (i, 0, 0)),
        ],
        out_specs=pl.BlockSpec((H, W), lambda i: (0, 0)),
        out_shape=jax.ShapeDtypeStruct((H, W), jnp.float32),
    )(hm, thm)


def _smooth_l1_sum(p, t):
    d = p - t
    ad = jnp.abs(d)
    return jnp.sum(jnp.where(ad < 1.0, 0.5 * d * d, ad - 0.5))


def _combine_body(facc_ref, g_ref, tw0_ref, tw1_ref, tr0_ref, tr1_ref,
                  ta_ref, m_ref, out_ref):
    m = m_ref[...].astype(jnp.float32)
    g = g_ref[...]
    gw0 = g[:, 0 * K:1 * K]
    gw1 = g[:, 1 * K:2 * K]
    gr0 = g[:, 2 * K:3 * K]
    gr1 = g[:, 3 * K:4 * K]
    gan = g[:, 4 * K:5 * K]
    tw0 = tw0_ref[...]
    tw1 = tw1_ref[...]
    tr0 = tr0_ref[...]
    tr1 = tr1_ref[...]
    ta = ta_ref[...]
    ang = jnp.clip(jax.nn.relu(gan), 0.0, 179.99)

    msum = jnp.sum(m)

    off_loss = (_smooth_l1_sum(gr0 * m, tr0 * m)
                + _smooth_l1_sum(gr1 * m, tr1 * m)) / (2.0 * msum + 0.0001)
    ang_loss = _smooth_l1_sum(ang * m, ta * m) / (msum + 0.0001)
    wh_loss = (_smooth_l1_sum(gw0 * m, tw0 * m)
               + _smooth_l1_sum(gw1 * m, tw1 * m)) / (2.0 * msum + 0.0001)

    deg2rad = jnp.float32(3.14159265358979323846 / 180.0)
    ap = ang * m * deg2rad
    at = ta * m * deg2rad
    wp = jnp.clip(gw0 * m, 1e-07, 1e7)
    hp = jnp.clip(gw1 * m, 1e-07, 1e7)
    wt = jnp.clip(tw0 * m, 1e-07, 1e7)
    ht = jnp.clip(tw1 * m, 1e-07, 1e7)

    cp, sp = jnp.cos(ap), jnp.sin(ap)
    ct, st = jnp.cos(at), jnp.sin(at)
    Ap, Bp = 0.25 * wp * wp, 0.25 * hp * hp
    At, Bt = 0.25 * wt * wt, 0.25 * ht * ht
    p11 = Ap * cp * cp + Bp * sp * sp
    p22 = Ap * sp * sp + Bp * cp * cp
    p12 = (Ap - Bp) * sp * cp
    t11 = At * ct * ct + Bt * st * st
    t22 = At * st * st + Bt * ct * ct
    t12 = (At - Bt) * st * ct
    whr = Ap + Bp + At + Bt
    tr_pt = p11 * t11 + 2.0 * p12 * t12 + p22 * t22
    det_sqrt = (0.25 * wp * hp) * (0.25 * wt * ht)
    whr = whr - 2.0 * jnp.sqrt(jnp.clip(tr_pt + 2.0 * det_sqrt, 0.0, None))
    dist = jnp.sqrt(jnp.clip(whr, 0.0, None))
    gwd_obj = 1.0 - 1.0 / (1.0 + dist)
    gwd_loss = jnp.sum(gwd_obj) / (msum + 0.0001)

    hm_loss = -jnp.sum(facc_ref[...])

    total = (1.0 * hm_loss + 0.1 * wh_loss + 1.0 * off_loss
             + 0.1 * ang_loss + 1.0 * gwd_loss)
    out_ref[...] = total[None, None]


def _combine_call(facc, g, tw0, tw1, tr0, tr1, ta, m):
    return pl.pallas_call(
        _combine_body,
        out_shape=jax.ShapeDtypeStruct((1, 1), jnp.float32),
    )(facc, g, tw0, tw1, tr0, tr1, ta, m)


def kernel(pred_hm, pred_wh, pred_reg, pred_ang, target_hm, target_wh,
           target_reg, target_ang, target_cxcy, reg_mask, ind):
    hm = pred_hm.reshape(B * C, H, W)
    thm = target_hm.reshape(B * C, H, W)
    wh = pred_wh.reshape(B, 2, HW)
    reg = pred_reg.reshape(B, 2, HW)
    ang = pred_ang.reshape(B, 1, HW)

    g = _sc_gather(wh, reg, ang, ind)
    facc = _focal_call(hm, thm)

    out = _combine_call(facc, g, target_wh[:, :, 0], target_wh[:, :, 1],
                        target_reg[:, :, 0], target_reg[:, :, 1],
                        target_ang[:, :, 0], reg_mask)
    return out[0, 0]

# --- scband reference (transcript-rebuilt; emitter-appended) ---
"""Pipeline reference for scband-ctdet-gwdloss-67886253080611 (READ-ONLY COPY).

The authoritative reference and input builder live on the scoring server;
editing this copy changes nothing except your own understanding.
"""

import jax, jax.numpy as jnp
import numpy as np

HM_W, WH_W, REG_W, ANG_W, GWD_W = 1.0, 0.1, 1.0, 0.1, 1.0


def setup_inputs(seed: int = 0):
    key = jax.random.key(seed)
    ks = jax.random.split(key, 11)
    B, C, H, W, K = 16, 15, 128, 128, 128
    return {
        "pred_hm": jax.random.normal(ks[0], (B, C, H, W), dtype=jnp.float32),
        "pred_wh": jax.random.normal(ks[1], (B, 2, H, W), dtype=jnp.float32),
        "pred_reg": jax.random.normal(ks[2], (B, 2, H, W), dtype=jnp.float32),
        "pred_ang": jax.random.normal(ks[3], (B, 1, H, W), dtype=jnp.float32),
        "target_hm": jax.random.uniform(ks[4], (B, C, H, W), dtype=jnp.float32),
        "target_wh": jax.random.uniform(ks[5], (B, K, 2), dtype=jnp.float32),
        "target_reg": jax.random.uniform(ks[6], (B, K, 2), dtype=jnp.float32),
        "target_ang": jax.random.uniform(ks[7], (B, K, 1), dtype=jnp.float32),
        "target_cxcy": jax.random.uniform(ks[8], (B, K, 2), dtype=jnp.float32),
        "reg_mask": jnp.ones((B, K), dtype=jnp.int32),
        "ind": jax.random.randint(ks[9], (B, K), 0, H * W, dtype=jnp.int32),
    }


def _transpose_and_gather_feat(feat, ind):
    B, C, H, W = feat.shape
    f = jnp.transpose(feat, (0, 2, 3, 1)).reshape(B, H * W, C)
    return jnp.take_along_axis(f, ind[:, :, None], axis=1)


def _focal_loss(pred, gt):
    pos_inds = (gt == 1.0).astype(jnp.float32)
    neg_inds = (gt < 1.0).astype(jnp.float32)
    neg_weights = jnp.power(1.0 - gt, 4)
    pos_loss = jnp.log(pred) * jnp.square(1.0 - pred) * pos_inds
    neg_loss = jnp.log(1.0 - pred) * jnp.square(pred) * neg_weights * neg_inds
    num_pos = pos_inds.sum()
    pl = pos_loss.sum()
    nl = neg_loss.sum()
    denom = jnp.where(num_pos == 0, 1.0, num_pos)
    return jnp.where(num_pos == 0, -nl, -(pl + nl) / denom)


def _smooth_l1_sum(p, t):
    d = p - t
    ad = jnp.abs(d)
    return jnp.where(ad < 1.0, 0.5 * d * d, ad - 0.5).sum()


def _reg_l1_loss(pred_map, mask, ind, target):
    pred = _transpose_and_gather_feat(pred_map, ind)
    mexp = jnp.broadcast_to(mask[:, :, None].astype(jnp.float32), pred.shape)
    loss = _smooth_l1_sum(pred * mexp, target * mexp)
    return loss / (mexp.sum() + 0.0001)


def _xywhr2xyrs(xywhr):
    xywhr = xywhr.reshape(-1, 5)
    xy = xywhr[:, :2]
    wh = jnp.clip(xywhr[:, 2:4], 1e-07, 1e7)
    r = xywhr[:, 4]
    cos_r = jnp.cos(r)
    sin_r = jnp.sin(r)
    R = jnp.stack([cos_r, -sin_r, sin_r, cos_r], axis=-1).reshape(-1, 2, 2)
    S = 0.5 * wh[:, :, None] * jnp.eye(2, dtype=xywhr.dtype)
    return xy, R, S


def _gwd_loss(pred, target, tau=1.0, alpha=1.0):
    pred_ = pred[:, 4] / 180.0 * np.pi
    target_ = target[:, 4] / 180.0 * np.pi
    pred = jnp.concatenate([pred[:, :4], pred_[:, None]], axis=-1)
    target = jnp.concatenate([target[:, :4], target_[:, None]], axis=-1)
    xy_p, R_p, S_p = _xywhr2xyrs(pred)
    xy_t, R_t, S_t = _xywhr2xyrs(target)
    xy_distance = jnp.square(xy_p - xy_t).sum(-1)
    Sigma_p = R_p @ jnp.square(S_p) @ jnp.transpose(R_p, (0, 2, 1))
    Sigma_t = R_t @ jnp.square(S_t) @ jnp.transpose(R_t, (0, 2, 1))
    diag_p = jnp.diagonal(S_p, axis1=-2, axis2=-1)
    diag_t = jnp.diagonal(S_t, axis1=-2, axis2=-1)
    whr_distance = jnp.square(diag_p).sum(-1) + jnp.square(diag_t).sum(-1)
    _t = Sigma_p @ Sigma_t
    _t_tr = jnp.diagonal(_t, axis1=-2, axis2=-1).sum(-1)
    _t_det_sqrt = diag_p.prod(-1) * diag_t.prod(-1)
    whr_distance = whr_distance - 2.0 * jnp.sqrt(jnp.clip(_t_tr + 2.0 * _t_det_sqrt, 0.0))
    distance = jnp.clip(xy_distance + alpha * alpha * whr_distance, 0.0)
    distance = jnp.sqrt(distance)
    return 1.0 - 1.0 / (tau + distance)


def _format_gt_pred(pred_ang_map, pred_hw_map, mask, ind, target_ang, target_hw, target_cxcy):
    mask_f = mask.astype(jnp.float32)
    batch_objs = mask_f.sum()
    pred_ang = _transpose_and_gather_feat(pred_ang_map, ind) * mask_f[:, :, None]
    pred_hw = _transpose_and_gather_feat(pred_hw_map, ind) * mask_f[:, :, None]
    p = jnp.concatenate([target_cxcy, pred_hw, pred_ang], axis=-1) * mask_f[:, :, None]
    g = jnp.concatenate([target_cxcy, target_hw, target_ang], axis=-1) * mask_f[:, :, None]
    loss = _gwd_loss(p.reshape(-1, 5), g.reshape(-1, 5))
    return loss.sum() / (batch_objs + 0.0001)


def reference(pred_hm, pred_wh, pred_reg, pred_ang, target_hm, target_wh, target_reg, target_ang, target_cxcy, reg_mask, ind):
    hm = jnp.clip(jax.nn.sigmoid(pred_hm), 0.0001, 1.0 - 0.0001)
    hm_loss = _focal_loss(hm, target_hm)
    off_loss = _reg_l1_loss(pred_reg, reg_mask, ind, target_reg)
    ang = jnp.clip(jax.nn.relu(pred_ang), 0.0, 179.99)
    ang_loss = _reg_l1_loss(ang, reg_mask, ind, target_ang)
    wh_loss = _reg_l1_loss(pred_wh, reg_mask, ind, target_wh)
    gwd = _format_gt_pred(ang, pred_wh, reg_mask, ind, target_ang, target_wh, target_cxcy)
    total = HM_W * hm_loss + WH_W * wh_loss + REG_W * off_loss + ANG_W * ang_loss + GWD_W * gwd
    return total

if __name__ == "__main__":
    import jax
    _d = setup_inputs()
    print(jax.jit(kernel)(*tuple(_d.values())))

</pallas_src>

<mosaic_0001>
#map = affine_map<(d0, d1) -> (0)>
#map1 = affine_map<(d0, d1) -> (0, 0)>
module attributes {stable_mosaic.version = 14 : i64} {
  func.func @_sc_gather_body(%arg0: i32, %arg1: i32, %arg2: memref<524288xf32, #tpu.memory_space<hbm>>, %arg3: memref<524288xf32, #tpu.memory_space<hbm>>, %arg4: memref<262144xf32, #tpu.memory_space<hbm>>, %arg5: memref<16x128xi32, #tpu.memory_space<hbm>>, %arg6: memref<16x640xf32, #tpu.memory_space<hbm>>, %arg7: memref<128xi32, #tpu.memory_space<vmem>>, %arg8: memref<128xi32, #tpu.memory_space<vmem>>, %arg9: memref<128xi32, #tpu.memory_space<vmem>>, %arg10: memref<128xi32, #tpu.memory_space<vmem>>, %arg11: memref<128xi32, #tpu.memory_space<vmem>>, %arg12: memref<128xi32, #tpu.memory_space<vmem>>, %arg13: memref<640xf32, #tpu.memory_space<vmem>>, %arg14: memref<!tpu.dma_semaphore, #tpu.memory_space<semaphore_mem>>) attributes {dimension_semantics = [#tpu.dimension_semantics<core_parallel>, #tpu.dimension_semantics<subcore_parallel>], iteration_bounds = array<i64: 2, 16>, scalar_prefetch = 0 : i64, scratch_operands = 8 : i64, tpu.core_type = #tpu.core_type<sc_vector_subcore>, window_params = [{transform_indices = #map}, {transform_indices = #map}, {transform_indices = #map}, {transform_indices = #map1}, {transform_indices = #map1}]} {
    %mul3A = arith.constant 2 : i32
    %mul3A_0 = arith.muli %arg1, %mul3A : i32
    %add3A = arith.addi %mul3A_0, %arg0 : i32
    %lt3A = arith.constant 16 : i32
    %lt3A_1 = arith.cmpi slt, %add3A, %lt3A : i32
    %convert_element_type3A = arith.extui %lt3A_1 : i1 to i32
    %cond3A = arith.constant 0 : i32
    %cond3A_2 = arith.cmpi ne, %convert_element_type3A, %cond3A : i32
    scf.if %cond3A_2 {
      "tpu.region"() ({
        %run_scoped3A = tpu.sem_alloc : memref<!tpu.dma_semaphore, #tpu.memory_space<semaphore_mem>>
        %dma_start3A_237 = arith.constant 0 : i32
        %dma_start3A_238 = tpu.memref_slice %arg5[%add3A, %dma_start3A_237] : memref<16x128xi32, #tpu.memory_space<hbm>> -> memref<1x128xi32, #tpu.memory_space<hbm>>
        %dma_start3A_239 = tpu.memref_squeeze %dma_start3A_238 : memref<1x128xi32, #tpu.memory_space<hbm>> -> memref<128xi32, #tpu.memory_space<hbm>>
        %dma_start3A_240 = arith.constant 0 : i32
        %dma_start3A_241 = tpu.memref_slice %arg5[%add3A, %dma_start3A_240] : memref<16x128xi32, #tpu.memory_space<hbm>> -> memref<1x128xi32, #tpu.memory_space<hbm>>
        %dma_start3A_242 = tpu.memref_squeeze %dma_start3A_241 : memref<1x128xi32, #tpu.memory_space<hbm>> -> memref<128xi32, #tpu.memory_space<hbm>>
        tpu.enqueue_dma source(%dma_start3A_242 : memref<128xi32, #tpu.memory_space<hbm>>) target(%arg7 : memref<128xi32, #tpu.memory_space<vmem>>) target_semaphore(%run_scoped3A : memref<!tpu.dma_semaphore, #tpu.memory_space<semaphore_mem>>)
        %dma_wait3A_243 = arith.constant 0 : i32
        %dma_wait3A_244 = tpu.memref_slice %arg5[%add3A, %dma_wait3A_243] : memref<16x128xi32, #tpu.memory_space<hbm>> -> memref<1x128xi32, #tpu.memory_space<hbm>>
        %dma_wait3A_245 = tpu.memref_squeeze %dma_wait3A_244 : memref<1x128xi32, #tpu.memory_space<hbm>> -> memref<128xi32, #tpu.memory_space<hbm>>
        %dma_wait3A_246 = arith.constant 0 : i32
        %dma_wait3A_247 = tpu.memref_slice %arg5[%add3A, %dma_wait3A_246] : memref<16x128xi32, #tpu.memory_space<hbm>> -> memref<1x128xi32, #tpu.memory_space<hbm>>
        %dma_wait3A_248 = tpu.memref_squeeze %dma_wait3A_247 : memref<1x128xi32, #tpu.memory_space<hbm>> -> memref<128xi32, #tpu.memory_space<hbm>>
        tpu.wait_dma2 semaphore(%run_scoped3A : memref<!tpu.dma_semaphore, #tpu.memory_space<semaphore_mem>>) src(%dma_wait3A_248 : memref<128xi32, #tpu.memory_space<hbm>>) dst(%arg7 : memref<128xi32, #tpu.memory_space<vmem>>)
        tpu.yield
      }) : () -> ()
      %mul3A_3 = arith.constant 2 : i32
      %mul3A_4 = arith.muli %mul3A_3, %add3A : i32
      %mul3A_5 = arith.constant 16384 : i32
      %mul3A_6 = arith.muli %mul3A_4, %mul3A_5 : i32
      %mul3A_7 = arith.constant 2 : i32
      %mul3A_8 = arith.muli %mul3A_7, %add3A : i32
      %add3A_9 = arith.constant 1 : i32
      %add3A_10 = arith.addi %mul3A_8, %add3A_9 : i32
      %mul3A_11 = arith.constant 16384 : i32
      %mul3A_12 = arith.muli %add3A_10, %mul3A_11 : i32
      %mul3A_13 = arith.constant 2 : i32
      %mul3A_14 = arith.muli %mul3A_13, %add3A : i32
      %mul3A_15 = arith.constant 16384 : i32
      %mul3A_16 = arith.muli %mul3A_14, %mul3A_15 : i32
      %mul3A_17 = arith.constant 2 : i32
      %mul3A_18 = arith.muli %mul3A_17, %add3A : i32
      %add3A_19 = arith.constant 1 : i32
      %add3A_20 = arith.addi %mul3A_18, %add3A_19 : i32
      %mul3A_21 = arith.constant 16384 : i32
      %mul3A_22 = arith.muli %add3A_20, %mul3A_21 : i32
      %mul3A_23 = arith.constant 16384 : i32
      %mul3A_24 = arith.muli %add3A, %mul3A_23 : i32
      %get3A = arith.constant 0 : index
      %get3A_25 = tpu.vector_load %arg7[%get3A] {strides = array<i32>} : memref<128xi32, #tpu.memory_space<vmem>>, vector<16xi32>,
      %add3A_26 = vector.broadcast %mul3A_6 : i32 to vector<16xi32>
      %add3A_27 = arith.addi %get3A_25, %add3A_26 : vector<16xi32>
      %swap3A = arith.constant 0 : index
      %swap3A_28 = tpu.vector_load %arg8[%swap3A] {strides = array<i32>} : memref<128xi32, #tpu.memory_space<vmem>>, vector<16xi32>,
      tpu.vector_store %arg8[%swap3A], %add3A_27 {strides = array<i32>} : memref<128xi32, #tpu.memory_space<vmem>>, vector<16xi32>,
      %add3A_29 = vector.broadcast %mul3A_12 : i32 to vector<16xi32>
      %add3A_30 = arith.addi %get3A_25, %add3A_29 : vector<16xi32>
      %swap3A_31 = arith.constant 0 : index
      %swap3A_32 = tpu.vector_load %arg9[%swap3A_31] {strides = array<i32>} : memref<128xi32, #tpu.memory_space<vmem>>, vector<16xi32>,
      tpu.vector_store %arg9[%swap3A_31], %add3A_30 {strides = array<i32>} : memref<128xi32, #tpu.memory_space<vmem>>, vector<16xi32>,
      %add3A_33 = vector.broadcast %mul3A_16 : i32 to vector<16xi32>
      %add3A_34 = arith.addi %get3A_25, %add3A_33 : vector<16xi32>
      %swap3A_35 = arith.constant 0 : index
      %swap3A_36 = tpu.vector_load %arg10[%swap3A_35] {strides = array<i32>} : memref<128xi32, #tpu.memory_space<vmem>>, vector<16xi32>,
      tpu.vector_store %arg10[%swap3A_35], %add3A_34 {strides = array<i32>} : memref<128xi32, #tpu.memory_space<vmem>>, vector<16xi32>,
      %add3A_37 = vector.broadcast %mul3A_22 : i32 to vector<16xi32>
      %add3A_38 = arith.addi %get3A_25, %add3A_37 : vector<16xi32>
      %swap3A_39 = arith.constant 0 : index
      %swap3A_40 = tpu.vector_load %arg11[%swap3A_39] {strides = array<i32>} : memref<128xi32, #tpu.memory_space<vmem>>, vector<16xi32>,
      tpu.vector_store %arg11[%swap3A_39], %add3A_38 {strides = array<i32>} : memref<128xi32, #tpu.memory_space<vmem>>, vector<16xi32>,
      %add3A_41 = vector.broadcast %mul3A_24 : i32 to vector<16xi32>
      %add3A_42 = arith.addi %get3A_25, %add3A_41 : vector<16xi32>
      %swap3A_43 = arith.constant 0 : index
      %swap3A_44 = tpu.vector_load %arg12[%swap3A_43] {strides = array<i32>} : memref<128xi32, #tpu.memory_space<vmem>>, vector<16xi32>,
      tpu.vector_store %arg12[%swap3A_43], %add3A_42 {strides = array<i32>} : memref<128xi32, #tpu.memory_space<vmem>>, vector<16xi32>,
      %get3A_45 = arith.constant 16 : index
      %get3A_46 = tpu.vector_load %arg7[%get3A_45] {strides = array<i32>} : memref<128xi32, #tpu.memory_space<vmem>>, vector<16xi32>,
      %add3A_47 = vector.broadcast %mul3A_6 : i32 to vector<16xi32>
      %add3A_48 = arith.addi %get3A_46, %add3A_47 : vector<16xi32>
      %swap3A_49 = arith.constant 16 : index
      %swap3A_50 = tpu.vector_load %arg8[%swap3A_49] {strides = array<i32>} : memref<128xi32, #tpu.memory_space<vmem>>, vector<16xi32>,
      tpu.vector_store %arg8[%swap3A_49], %add3A_48 {strides = array<i32>} : memref<128xi32, #tpu.memory_space<vmem>>, vector<16xi32>,
      %add3A_51 = vector.broadcast %mul3A_12 : i32 to vector<16xi32>
      %add3A_52 = arith.addi %get3A_46, %add3A_51 : vector<16xi32>
      %swap3A_53 = arith.constant 16 : index
      %swap3A_54 = tpu.vector_load %arg9[%swap3A_53] {strides = array<i32>} : memref<128xi32, #tpu.memory_space<vmem>>, vector<16xi32>,
      tpu.vector_store %arg9[%swap3A_53], %add3A_52 {strides = array<i32>} : memref<128xi32, #tpu.memory_space<vmem>>, vector<16xi32>,
      %add3A_55 = vector.broadcast %mul3A_16 : i32 to vector<16xi32>
      %add3A_56 = arith.addi %get3A_46, %add3A_55 : vector<16xi32>
      %swap3A_57 = arith.constant 16 : index
      %swap3A_58 = tpu.vector_load %arg10[%swap3A_57] {strides = array<i32>} : memref<128xi32, #tpu.memory_space<vmem>>, vector<16xi32>,
      tpu.vector_store %arg10[%swap3A_57], %add3A_56 {strides = array<i32>} : memref<128xi32, #tpu.memory_space<vmem>>, vector<16xi32>,
      %add3A_59 = vector.broadcast %mul3A_22 : i32 to vector<16xi32>
      %add3A_60 = arith.addi %get3A_46, %add3A_59 : vector<16xi32>
      %swap3A_61 = arith.constant 16 : index
      %swap3A_62 = tpu.vector_load %arg11[%swap3A_61] {strides = array<i32>} : memref<128xi32, #tpu.memory_space<vmem>>, vector<16xi32>,
      tpu.vector_store %arg11[%swap3A_61], %add3A_60 {strides = array<i32>} : memref<128xi32, #tpu.memory_space<vmem>>, vector<16xi32>,
      %add3A_63 = vector.broadcast %mul3A_24 : i32 to vector<16xi32>
      %add3A_64 = arith.addi %get3A_46, %add3A_63 : vector<16xi32>
      %swap3A_65 = arith.constant 16 : index
      %swap3A_66 = tpu.vector_load %arg12[%swap3A_65] {strides = array<i32>} : memref<128xi32, #tpu.memory_space<vmem>>, vector<16xi32>,
      tpu.vector_store %arg12[%swap3A_65], %add3A_64 {strides = array<i32>} : memref<128xi32, #tpu.memory_space<vmem>>, vector<16xi32>,
      %get3A_67 = arith.constant 32 : index
      %get3A_68 = tpu.vector_load %arg7[%get3A_67] {strides = array<i32>} : memref<128xi32, #tpu.memory_space<vmem>>, vector<16xi32>,
      %add3A_69 = vector.broadcast %mul3A_6 : i32 to vector<16xi32>
      %add3A_70 = arith.addi %get3A_68, %add3A_69 : vector<16xi32>
      %swap3A_71 = arith.constant 32 : index
      %swap3A_72 = tpu.vector_load %arg8[%swap3A_71] {strides = array<i32>} : memref<128xi32, #tpu.memory_space<vmem>>, vector<16xi32>,
      tpu.vector_store %arg8[%swap3A_71], %add3A_70 {strides = array<i32>} : memref<128xi32, #tpu.memory_space<vmem>>, vector<16xi32>,
      %add3A_73 = vector.broadcast %mul3A_12 : i32 to vector<16xi32>
      %add3A_74 = arith.addi %get3A_68, %add3A_73 : vector<16xi32>
      %swap3A_75 = arith.constant 32 : index
      %swap3A_76 = tpu.vector_load %arg9[%swap3A_75] {strides = array<i32>} : memref<128xi32, #tpu.memory_space<vmem>>, vector<16xi32>,
      tpu.vector_store %arg9[%swap3A_75], %add3A_74 {strides = array<i32>} : memref<128xi32, #tpu.memory_space<vmem>>, vector<16xi32>,
      %add3A_77 = vector.broadcast %mul3A_16 : i32 to vector<16xi32>
      %add3A_78 = arith.addi %get3A_68, %add3A_77 : vector<16xi32>
      %swap3A_79 = arith.constant 32 : index
      %swap3A_80 = tpu.vector_load %arg10[%swap3A_79] {strides = array<i32>} : memref<128xi32, #tpu.memory_space<vmem>>, vector<16xi32>,
      tpu.vector_store %arg10[%swap3A_79], %add3A_78 {strides = array<i32>} : memref<128xi32, #tpu.memory_space<vmem>>, vector<16xi32>,
      %add3A_81 = vector.broadcast %mul3A_22 : i32 to vector<16xi32>
      %add3A_82 = arith.addi %get3A_68, %add3A_81 : vector<16xi32>
      %swap3A_83 = arith.constant 32 : index
      %swap3A_84 = tpu.vector_load %arg11[%swap3A_83] {strides = array<i32>} : memref<128xi32, #tpu.memory_space<vmem>>, vector<16xi32>,
      tpu.vector_store %arg11[%swap3A_83], %add3A_82 {strides = array<i32>} : memref<128xi32, #tpu.memory_space<vmem>>, vector<16xi32>,
      %add3A_85 = vector.broadcast %mul3A_24 : i32 to vector<16xi32>
      %add3A_86 = arith.addi %get3A_68, %add3A_85 : vector<16xi32>
      %swap3A_87 = arith.constant 32 : index
      %swap3A_88 = tpu.vector_load %arg12[%swap3A_87] {strides = array<i32>} : memref<128xi32, #tpu.memory_space<vmem>>, vector<16xi32>,
      tpu.vector_store %arg12[%swap3A_87], %add3A_86 {strides = array<i32>} : memref<128xi32, #tpu.memory_space<vmem>>, vector<16xi32>,
      %get3A_89 = arith.constant 48 : index
      %get3A_90 = tpu.vector_load %arg7[%get3A_89] {strides = array<i32>} : memref<128xi32, #tpu.memory_space<vmem>>, vector<16xi32>,
      %add3A_91 = vector.broadcast %mul3A_6 : i32 to vector<16xi32>
      %add3A_92 = arith.addi %get3A_90, %add3A_91 : vector<16xi32>
      %swap3A_93 = arith.constant 48 : index
      %swap3A_94 = tpu.vector_load %arg8[%swap3A_93] {strides = array<i32>} : memref<128xi32, #tpu.memory_space<vmem>>, vector<16xi32>,
      tpu.vector_store %arg8[%swap3A_93], %add3A_92 {strides = array<i32>} : memref<128xi32, #tpu.memory_space<vmem>>, vector<16xi32>,
      %add3A_95 = vector.broadcast %mul3A_12 : i32 to vector<16xi32>
      %add3A_96 = arith.addi %get3A_90, %add3A_95 : vector<16xi32>
      %swap3A_97 = arith.constant 48 : index
      %swap3A_98 = tpu.vector_load %arg9[%swap3A_97] {strides = array<i32>} : memref<128xi32, #tpu.memory_space<vmem>>, vector<16xi32>,
      tpu.vector_store %arg9[%swap3A_97], %add3A_96 {strides = array<i32>} : memref<128xi32, #tpu.memory_space<vmem>>, vector<16xi32>,
      %add3A_99 = vector.broadcast %mul3A_16 : i32 to vector<16xi32>
      %add3A_100 = arith.addi %get3A_90, %add3A_99 : vector<16xi32>
      %swap3A_101 = arith.constant 48 : index
      %swap3A_102 = tpu.vector_load %arg10[%swap3A_101] {strides = array<i32>} : memref<128xi32, #tpu.memory_space<vmem>>, vector<16xi32>,
      tpu.vector_store %arg10[%swap3A_101], %add3A_100 {strides = array<i32>} : memref<128xi32, #tpu.memory_space<vmem>>, vector<16xi32>,
      %add3A_103 = vector.broadcast %mul3A_22 : i32 to vector<16xi32>
      %add3A_104 = arith.addi %get3A_90, %add3A_103 : vector<16xi32>
      %swap3A_105 = arith.constant 48 : index
      %swap3A_106 = tpu.vector_load %arg11[%swap3A_105] {strides = array<i32>} : memref<128xi32, #tpu.memory_space<vmem>>, vector<16xi32>,
      tpu.vector_store %arg11[%swap3A_105], %add3A_104 {strides = array<i32>} : memref<128xi32, #tpu.memory_space<vmem>>, vector<16xi32>,
      %add3A_107 = vector.broadcast %mul3A_24 : i32 to vector<16xi32>
      %add3A_108 = arith.addi %get3A_90, %add3A_107 : vector<16xi32>
      %swap3A_109 = arith.constant 48 : index
      %swap3A_110 = tpu.vector_load %arg12[%swap3A_109] {strides = array<i32>} : memref<128xi32, #tpu.memory_space<vmem>>, vector<16xi32>,
      tpu.vector_store %arg12[%swap3A_109], %add3A_108 {strides = array<i32>} : memref<128xi32, #tpu.memory_space<vmem>>, vector<16xi32>,
      %get3A_111 = arith.constant 64 : index
      %get3A_112 = tpu.vector_load %arg7[%get3A_111] {strides = array<i32>} : memref<128xi32, #tpu.memory_space<vmem>>, vector<16xi32>,
      %add3A_113 = vector.broadcast %mul3A_6 : i32 to vector<16xi32>
      %add3A_114 = arith.addi %get3A_112, %add3A_113 : vector<16xi32>
      %swap3A_115 = arith.constant 64 : index
      %swap3A_116 = tpu.vector_load %arg8[%swap3A_115] {strides = array<i32>} : memref<128xi32, #tpu.memory_space<vmem>>, vector<16xi32>,
      tpu.vector_store %arg8[%swap3A_115], %add3A_114 {strides = array<i32>} : memref<128xi32, #tpu.memory_space<vmem>>, vector<16xi32>,
      %add3A_117 = vector.broadcast %mul3A_12 : i32 to vector<16xi32>
      %add3A_118 = arith.addi %get3A_112, %add3A_117 : vector<16xi32>
      %swap3A_119 = arith.constant 64 : index
      %swap3A_120 = tpu.vector_load %arg9[%swap3A_119] {strides = array<i32>} : memref<128xi32, #tpu.memory_space<vmem>>, vector<16xi32>,
      tpu.vector_store %arg9[%swap3A_119], %add3A_118 {strides = array<i32>} : memref<128xi32, #tpu.memory_space<vmem>>, vector<16xi32>,
      %add3A_121 = vector.broadcast %mul3A_16 : i32 to vector<16xi32>
      %add3A_122 = arith.addi %get3A_112, %add3A_121 : vector<16xi32>
      %swap3A_123 = arith.constant 64 : index
      %swap3A_124 = tpu.vector_load %arg10[%swap3A_123] {strides = array<i32>} : memref<128xi32, #tpu.memory_space<vmem>>, vector<16xi32>,
      tpu.vector_store %arg10[%swap3A_123], %add3A_122 {strides = array<i32>} : memref<128xi32, #tpu.memory_space<vmem>>, vector<16xi32>,
      %add3A_125 = vector.broadcast %mul3A_22 : i32 to vector<16xi32>
      %add3A_126 = arith.addi %get3A_112, %add3A_125 : vector<16xi32>
      %swap3A_127 = arith.constant 64 : index
      %swap3A_128 = tpu.vector_load %arg11[%swap3A_127] {strides = array<i32>} : memref<128xi32, #tpu.memory_space<vmem>>, vector<16xi32>,
      tpu.vector_store %arg11[%swap3A_127], %add3A_126 {strides = array<i32>} : memref<128xi32, #tpu.memory_space<vmem>>, vector<16xi32>,
      %add3A_129 = vector.broadcast %mul3A_24 : i32 to vector<16xi32>
      %add3A_130 = arith.addi %get3A_112, %add3A_129 : vector<16xi32>
      %swap3A_131 = arith.constant 64 : index
      %swap3A_132 = tpu.vector_load %arg12[%swap3A_131] {strides = array<i32>} : memref<128xi32, #tpu.memory_space<vmem>>, vector<16xi32>,
      tpu.vector_store %arg12[%swap3A_131], %add3A_130 {strides = array<i32>} : memref<128xi32, #tpu.memory_space<vmem>>, vector<16xi32>,
      %get3A_133 = arith.constant 80 : index
      %get3A_134 = tpu.vector_load %arg7[%get3A_133] {strides = array<i32>} : memref<128xi32, #tpu.memory_space<vmem>>, vector<16xi32>,
      %add3A_135 = vector.broadcast %mul3A_6 : i32 to vector<16xi32>
      %add3A_136 = arith.addi %get3A_134, %add3A_135 : vector<16xi32>
      %swap3A_137 = arith.constant 80 : index
      %swap3A_138 = tpu.vector_load %arg8[%swap3A_137] {strides = array<i32>} : memref<128xi32, #tpu.memory_space<vmem>>, vector<16xi32>,
      tpu.vector_store %arg8[%swap3A_137], %add3A_136 {strides = array<i32>} : memref<128xi32, #tpu.memory_space<vmem>>, vector<16xi32>,
      %add3A_139 = vector.broadcast %mul3A_12 : i32 to vector<16xi32>
      %add3A_140 = arith.addi %get3A_134, %add3A_139 : vector<16xi32>
      %swap3A_141 = arith.constant 80 : index
      %swap3A_142 = tpu.vector_load %arg9[%swap3A_141] {strides = array<i32>} : memref<128xi32, #tpu.memory_space<vmem>>, vector<16xi32>,
      tpu.vector_store %arg9[%swap3A_141], %add3A_140 {strides = array<i32>} : memref<128xi32, #tpu.memory_space<vmem>>, vector<16xi32>,
      %add3A_143 = vector.broadcast %mul3A_16 : i32 to vector<16xi32>
      %add3A_144 = arith.addi %get3A_134, %add3A_143 : vector<16xi32>
      %swap3A_145 = arith.constant 80 : index
      %swap3A_146 = tpu.vector_load %arg10[%swap3A_145] {strides = array<i32>} : memref<128xi32, #tpu.memory_space<vmem>>, vector<16xi32>,
      tpu.vector_store %arg10[%swap3A_145], %add3A_144 {strides = array<i32>} : memref<128xi32, #tpu.memory_space<vmem>>, vector<16xi32>,
      %add3A_147 = vector.broadcast %mul3A_22 : i32 to vector<16xi32>
      %add3A_148 = arith.addi %get3A_134, %add3A_147 : vector<16xi32>
      %swap3A_149 = arith.constant 80 : index
      %swap3A_150 = tpu.vector_load %arg11[%swap3A_149] {strides = array<i32>} : memref<128xi32, #tpu.memory_space<vmem>>, vector<16xi32>,
      tpu.vector_store %arg11[%swap3A_149], %add3A_148 {strides = array<i32>} : memref<128xi32, #tpu.memory_space<vmem>>, vector<16xi32>,
      %add3A_151 = vector.broadcast %mul3A_24 : i32 to vector<16xi32>
      %add3A_152 = arith.addi %get3A_134, %add3A_151 : vector<16xi32>
      %swap3A_153 = arith.constant 80 : index
      %swap3A_154 = tpu.vector_load %arg12[%swap3A_153] {strides = array<i32>} : memref<128xi32, #tpu.memory_space<vmem>>, vector<16xi32>,
      tpu.vector_store %arg12[%swap3A_153], %add3A_152 {strides = array<i32>} : memref<128xi32, #tpu.memory_space<vmem>>, vector<16xi32>,
      %get3A_155 = arith.constant 96 : index
      %get3A_156 = tpu.vector_load %arg7[%get3A_155] {strides = array<i32>} : memref<128xi32, #tpu.memory_space<vmem>>, vector<16xi32>,
      %add3A_157 = vector.broadcast %mul3A_6 : i32 to vector<16xi32>
      %add3A_158 = arith.addi %get3A_156, %add3A_157 : vector<16xi32>
      %swap3A_159 = arith.constant 96 : index
      %swap3A_160 = tpu.vector_load %arg8[%swap3A_159] {strides = array<i32>} : memref<128xi32, #tpu.memory_space<vmem>>, vector<16xi32>,
      tpu.vector_store %arg8[%swap3A_159], %add3A_158 {strides = array<i32>} : memref<128xi32, #tpu.memory_space<vmem>>, vector<16xi32>,
      %add3A_161 = vector.broadcast %mul3A_12 : i32 to vector<16xi32>
      %add3A_162 = arith.addi %get3A_156, %add3A_161 : vector<16xi32>
      %swap3A_163 = arith.constant 96 : index
      %swap3A_164 = tpu.vector_load %arg9[%swap3A_163] {strides = array<i32>} : memref<128xi32, #tpu.memory_space<vmem>>, vector<16xi32>,
      tpu.vector_store %arg9[%swap3A_163], %add3A_162 {strides = array<i32>} : memref<128xi32, #tpu.memory_space<vmem>>, vector<16xi32>,
      %add3A_165 = vector.broadcast %mul3A_16 : i32 to vector<16xi32>
      %add3A_166 = arith.addi %get3A_156, %add3A_165 : vector<16xi32>
      %swap3A_167 = arith.constant 96 : index
      %swap3A_168 = tpu.vector_load %arg10[%swap3A_167] {strides = array<i32>} : memref<128xi32, #tpu.memory_space<vmem>>, vector<16xi32>,
      tpu.vector_store %arg10[%swap3A_167], %add3A_166 {strides = array<i32>} : memref<128xi32, #tpu.memory_space<vmem>>, vector<16xi32>,
      %add3A_169 = vector.broadcast %mul3A_22 : i32 to vector<16xi32>
      %add3A_170 = arith.addi %get3A_156, %add3A_169 : vector<16xi32>
      %swap3A_171 = arith.constant 96 : index
      %swap3A_172 = tpu.vector_load %arg11[%swap3A_171] {strides = array<i32>} : memref<128xi32, #tpu.memory_space<vmem>>, vector<16xi32>,
      tpu.vector_store %arg11[%swap3A_171], %add3A_170 {strides = array<i32>} : memref<128xi32, #tpu.memory_space<vmem>>, vector<16xi32>,
      %add3A_173 = vector.broadcast %mul3A_24 : i32 to vector<16xi32>
      %add3A_174 = arith.addi %get3A_156, %add3A_173 : vector<16xi32>
      %swap3A_175 = arith.constant 96 : index
      %swap3A_176 = tpu.vector_load %arg12[%swap3A_175] {strides = array<i32>} : memref<128xi32, #tpu.memory_space<vmem>>, vector<16xi32>,
      tpu.vector_store %arg12[%swap3A_175], %add3A_174 {strides = array<i32>} : memref<128xi32, #tpu.memory_space<vmem>>, vector<16xi32>,
      %get3A_177 = arith.constant 112 : index
      %get3A_178 = tpu.vector_load %arg7[%get3A_177] {strides = array<i32>} : memref<128xi32, #tpu.memory_space<vmem>>, vector<16xi32>,
      %add3A_179 = vector.broadcast %mul3A_6 : i32 to vector<16xi32>
      %add3A_180 = arith.addi %get3A_178, %add3A_179 : vector<16xi32>
      %swap3A_181 = arith.constant 112 : index
      %swap3A_182 = tpu.vector_load %arg8[%swap3A_181] {strides = array<i32>} : memref<128xi32, #tpu.memory_space<vmem>>, vector<16xi32>,
      tpu.vector_store %arg8[%swap3A_181], %add3A_180 {strides = array<i32>} : memref<128xi32, #tpu.memory_space<vmem>>, vector<16xi32>,
      %add3A_183 = vector.broadcast %mul3A_12 : i32 to vector<16xi32>
      %add3A_184 = arith.addi %get3A_178, %add3A_183 : vector<16xi32>
      %swap3A_185 = arith.constant 112 : index
      %swap3A_186 = tpu.vector_load %arg9[%swap3A_185] {strides = array<i32>} : memref<128xi32, #tpu.memory_space<vmem>>, vector<16xi32>,
      tpu.vector_store %arg9[%swap3A_185], %add3A_184 {strides = array<i32>} : memref<128xi32, #tpu.memory_space<vmem>>, vector<16xi32>,
      %add3A_187 = vector.broadcast %mul3A_16 : i32 to vector<16xi32>
      %add3A_188 = arith.addi %get3A_178, %add3A_187 : vector<16xi32>
      %swap3A_189 = arith.constant 112 : index
      %swap3A_190 = tpu.vector_load %arg10[%swap3A_189] {strides = array<i32>} : memref<128xi32, #tpu.memory_space<vmem>>, vector<16xi32>,
      tpu.vector_store %arg10[%swap3A_189], %add3A_188 {strides = array<i32>} : memref<128xi32, #tpu.memory_space<vmem>>, vector<16xi32>,
      %add3A_191 = vector.broadcast %mul3A_22 : i32 to vector<16xi32>
      %add3A_192 = arith.addi %get3A_178, %add3A_191 : vector<16xi32>
      %swap3A_193 = arith.constant 112 : index
      %swap3A_194 = tpu.vector_load %arg11[%swap3A_193] {strides = array<i32>} : memref<128xi32, #tpu.memory_space<vmem>>, vector<16xi32>,
      tpu.vector_store %arg11[%swap3A_193], %add3A_192 {strides = array<i32>} : memref<128xi32, #tpu.memory_space<vmem>>, vector<16xi32>,
      %add3A_195 = vector.broadcast %mul3A_24 : i32 to vector<16xi32>
      %add3A_196 = arith.addi %get3A_178, %add3A_195 : vector<16xi32>
      %swap3A_197 = arith.constant 112 : index
      %swap3A_198 = tpu.vector_load %arg12[%swap3A_197] {strides = array<i32>} : memref<128xi32, #tpu.memory_space<vmem>>, vector<16xi32>,
      tpu.vector_store %arg12[%swap3A_197], %add3A_196 {strides = array<i32>} : memref<128xi32, #tpu.memory_space<vmem>>, vector<16xi32>,
      %dma_start3A = arith.constant 0 : i32
      %dma_start3A_199 = tpu.memref_slice %arg13[%dma_start3A] : memref<640xf32, #tpu.memory_space<vmem>> -> memref<128xf32, #tpu.memory_space<vmem>>
      %dma_start3A_200 = arith.constant 0 : i32
      %dma_start3A_201 = tpu.memref_slice %arg2[%dma_start3A_200] : memref<524288xf32, #tpu.memory_space<hbm>> -> memref<524288xf32, #tpu.memory_space<hbm>>
      tpu.enqueue_indirect_dma source(%dma_start3A_201 : memref<524288xf32, #tpu.memory_space<hbm>>) target(%dma_start3A_199 : memref<128xf32, #tpu.memory_space<vmem>>) offsets(%arg8 : memref<128xi32, #tpu.memory_space<vmem>>) semaphore(%arg14 : memref<!tpu.dma_semaphore, #tpu.memory_space<semaphore_mem>>)
      %dma_start3A_202 = arith.constant 128 : i32
      %dma_start3A_203 = tpu.memref_slice %arg13[%dma_start3A_202] : memref<640xf32, #tpu.memory_space<vmem>> -> memref<128xf32, #tpu.memory_space<vmem>>
      %dma_start3A_204 = arith.constant 0 : i32
      %dma_start3A_205 = tpu.memref_slice %arg2[%dma_start3A_204] : memref<524288xf32, #tpu.memory_space<hbm>> -> memref<524288xf32, #tpu.memory_space<hbm>>
      tpu.enqueue_indirect_dma source(%dma_start3A_205 : memref<524288xf32, #tpu.memory_space<hbm>>) target(%dma_start3A_203 : memref<128xf32, #tpu.memory_space<vmem>>) offsets(%arg9 : memref<128xi32, #tpu.memory_space<vmem>>) semaphore(%arg14 : memref<!tpu.dma_semaphore, #tpu.memory_space<semaphore_mem>>)
      %dma_start3A_206 = arith.constant 256 : i32
      %dma_start3A_207 = tpu.memref_slice %arg13[%dma_start3A_206] : memref<640xf32, #tpu.memory_space<vmem>> -> memref<128xf32, #tpu.memory_space<vmem>>
      %dma_start3A_208 = arith.constant 0 : i32
      %dma_start3A_209 = tpu.memref_slice %arg3[%dma_start3A_208] : memref<524288xf32, #tpu.memory_space<hbm>> -> memref<524288xf32, #tpu.memory_space<hbm>>
      tpu.enqueue_indirect_dma source(%dma_start3A_209 : memref<524288xf32, #tpu.memory_space<hbm>>) target(%dma_start3A_207 : memref<128xf32, #tpu.memory_space<vmem>>) offsets(%arg10 : memref<128xi32, #tpu.memory_space<vmem>>) semaphore(%arg14 : memref<!tpu.dma_semaphore, #tpu.memory_space<semaphore_mem>>)
      %dma_start3A_210 = arith.constant 384 : i32
      %dma_start3A_211 = tpu.memref_slice %arg13[%dma_start3A_210] : memref<640xf32, #tpu.memory_space<vmem>> -> memref<128xf32, #tpu.memory_space<vmem>>
      %dma_start3A_212 = arith.constant 0 : i32
      %dma_start3A_213 = tpu.memref_slice %arg3[%dma_start3A_212] : memref<524288xf32, #tpu.memory_space<hbm>> -> memref<524288xf32, #tpu.memory_space<hbm>>
      tpu.enqueue_indirect_dma source(%dma_start3A_213 : memref<524288xf32, #tpu.memory_space<hbm>>) target(%dma_start3A_211 : memref<128xf32, #tpu.memory_space<vmem>>) offsets(%arg11 : memref<128xi32, #tpu.memory_space<vmem>>) semaphore(%arg14 : memref<!tpu.dma_semaphore, #tpu.memory_space<semaphore_mem>>)
      %dma_start3A_214 = arith.constant 512 : i32
      %dma_start3A_215 = tpu.memref_slice %arg13[%dma_start3A_214] : memref<640xf32, #tpu.memory_space<vmem>> -> memref<128xf32, #tpu.memory_space<vmem>>
      %dma_start3A_216 = arith.constant 0 : i32
      %dma_start3A_217 = tpu.memref_slice %arg4[%dma_start3A_216] : memref<262144xf32, #tpu.memory_space<hbm>> -> memref<262144xf32, #tpu.memory_space<hbm>>
      tpu.enqueue_indirect_dma source(%dma_start3A_217 : memref<262144xf32, #tpu.memory_space<hbm>>) target(%dma_start3A_215 : memref<128xf32, #tpu.memory_space<vmem>>) offsets(%arg12 : memref<128xi32, #tpu.memory_space<vmem>>) semaphore(%arg14 : memref<!tpu.dma_semaphore, #tpu.memory_space<semaphore_mem>>)
      %dma_wait3A = arith.constant 0 : i32
      %dma_wait3A_218 = tpu.memref_slice %arg13[%dma_wait3A] : memref<640xf32, #tpu.memory_space<vmem>> -> memref<128xf32, #tpu.memory_space<vmem>>
      %dma_wait3A_219 = arith.constant 0 : i32
      %dma_wait3A_220 = tpu.memref_slice %arg2[%dma_wait3A_219] : memref<524288xf32, #tpu.memory_space<hbm>> -> memref<524288xf32, #tpu.memory_space<hbm>>
      tpu.wait_indirect_dma semaphore(%arg14 : memref<!tpu.dma_semaphore, #tpu.memory_space<semaphore_mem>>) src(%dma_wait3A_220 : memref<524288xf32, #tpu.memory_space<hbm>>) dst(%dma_wait3A_218 : memref<128xf32, #tpu.memory_space<vmem>>)
      %dma_wait3A_221 = arith.constant 128 : i32
      %dma_wait3A_222 = tpu.memref_slice %arg13[%dma_wait3A_221] : memref<640xf32, #tpu.memory_space<vmem>> -> memref<128xf32, #tpu.memory_space<vmem>>
      %dma_wait3A_223 = arith.constant 0 : i32
      %dma_wait3A_224 = tpu.memref_slice %arg2[%dma_wait3A_223] : memref<524288xf32, #tpu.memory_space<hbm>> -> memref<524288xf32, #tpu.memory_space<hbm>>
      tpu.wait_indirect_dma semaphore(%arg14 : memref<!tpu.dma_semaphore, #tpu.memory_space<semaphore_mem>>) src(%dma_wait3A_224 : memref<524288xf32, #tpu.memory_space<hbm>>) dst(%dma_wait3A_222 : memref<128xf32, #tpu.memory_space<vmem>>)
      %dma_wait3A_225 = arith.constant 256 : i32
      %dma_wait3A_226 = tpu.memref_slice %arg13[%dma_wait3A_225] : memref<640xf32, #tpu.memory_space<vmem>> -> memref<128xf32, #tpu.memory_space<vmem>>
      %dma_wait3A_227 = arith.constant 0 : i32
      %dma_wait3A_228 = tpu.memref_slice %arg3[%dma_wait3A_227] : memref<524288xf32, #tpu.memory_space<hbm>> -> memref<524288xf32, #tpu.memory_space<hbm>>
      tpu.wait_indirect_dma semaphore(%arg14 : memref<!tpu.dma_semaphore, #tpu.memory_space<semaphore_mem>>) src(%dma_wait3A_228 : memref<524288xf32, #tpu.memory_space<hbm>>) dst(%dma_wait3A_226 : memref<128xf32, #tpu.memory_space<vmem>>)
      %dma_wait3A_229 = arith.constant 384 : i32
      %dma_wait3A_230 = tpu.memref_slice %arg13[%dma_wait3A_229] : memref<640xf32, #tpu.memory_space<vmem>> -> memref<128xf32, #tpu.memory_space<vmem>>
      %dma_wait3A_231 = arith.constant 0 : i32
      %dma_wait3A_232 = tpu.memref_slice %arg3[%dma_wait3A_231] : memref<524288xf32, #tpu.memory_space<hbm>> -> memref<524288xf32, #tpu.memory_space<hbm>>
      tpu.wait_indirect_dma semaphore(%arg14 : memref<!tpu.dma_semaphore, #tpu.memory_space<semaphore_mem>>) src(%dma_wait3A_232 : memref<524288xf32, #tpu.memory_space<hbm>>) dst(%dma_wait3A_230 : memref<128xf32, #tpu.memory_space<vmem>>)
      %dma_wait3A_233 = arith.constant 512 : i32
      %dma_wait3A_234 = tpu.memref_slice %arg13[%dma_wait3A_233] : memref<640xf32, #tpu.memory_space<vmem>> -> memref<128xf32, #tpu.memory_space<vmem>>
      %dma_wait3A_235 = arith.constant 0 : i32
      %dma_wait3A_236 = tpu.memref_slice %arg4[%dma_wait3A_235] : memref<262144xf32, #tpu.memory_space<hbm>> -> memref<262144xf32, #tpu.memory_space<hbm>>
      tpu.wait_indirect_dma semaphore(%arg14 : memref<!tpu.dma_semaphore, #tpu.memory_space<semaphore_mem>>) src(%dma_wait3A_236 : memref<262144xf32, #tpu.memory_space<hbm>>) dst(%dma_wait3A_234 : memref<128xf32, #tpu.memory_space<vmem>>)
      "tpu.region"() ({
        %run_scoped3A = tpu.sem_alloc : memref<!tpu.dma_semaphore, #tpu.memory_space<semaphore_mem>>
        %dma_start3A_237 = arith.constant 0 : i32
        %dma_start3A_238 = tpu.memref_slice %arg6[%add3A, %dma_start3A_237] : memref<16x640xf32, #tpu.memory_space<hbm>> -> memref<1x640xf32, #tpu.memory_space<hbm>>
        %dma_start3A_239 = tpu.memref_squeeze %dma_start3A_238 : memref<1x640xf32, #tpu.memory_space<hbm>> -> memref<640xf32, #tpu.memory_space<hbm>>
        %dma_start3A_240 = arith.constant 0 : i32
        %dma_start3A_241 = tpu.memref_slice %arg6[%add3A, %dma_start3A_240] : memref<16x640xf32, #tpu.memory_space<hbm>> -> memref<1x640xf32, #tpu.memory_space<hbm>>
        %dma_start3A_242 = tpu.memref_squeeze %dma_start3A_241 : memref<1x640xf32, #tpu.memory_space<hbm>> -> memref<640xf32, #tpu.memory_space<hbm>>
        tpu.enqueue_dma source(%arg13 : memref<640xf32, #tpu.memory_space<vmem>>) target(%dma_start3A_242 : memref<640xf32, #tpu.memory_space<hbm>>) target_semaphore(%run_scoped3A : memref<!tpu.dma_semaphore, #tpu.memory_space<semaphore_mem>>)
        %dma_wait3A_243 = arith.constant 0 : i32
        %dma_wait3A_244 = tpu.memref_slice %arg6[%add3A, %dma_wait3A_243] : memref<16x640xf32, #tpu.memory_space<hbm>> -> memref<1x640xf32, #tpu.memory_space<hbm>>
        %dma_wait3A_245 = tpu.memref_squeeze %dma_wait3A_244 : memref<1x640xf32, #tpu.memory_space<hbm>> -> memref<640xf32, #tpu.memory_space<hbm>>
        %dma_wait3A_246 = arith.constant 0 : i32
        %dma_wait3A_247 = tpu.memref_slice %arg6[%add3A, %dma_wait3A_246] : memref<16x640xf32, #tpu.memory_space<hbm>> -> memref<1x640xf32, #tpu.memory_space<hbm>>
        %dma_wait3A_248 = tpu.memref_squeeze %dma_wait3A_247 : memref<1x640xf32, #tpu.memory_space<hbm>> -> memref<640xf32, #tpu.memory_space<hbm>>
        tpu.wait_dma2 semaphore(%run_scoped3A : memref<!tpu.dma_semaphore, #tpu.memory_space<semaphore_mem>>) src(%arg13 : memref<640xf32, #tpu.memory_space<vmem>>) dst(%dma_wait3A_248 : memref<640xf32, #tpu.memory_space<hbm>>)
        tpu.yield
      }) : () -> ()
    } else {
    }
    return
  }
}

module attributes {stable_mosaic.version = 14 : i64} {
  func.func @_combine_body(%arg0: memref<128x128xf32, #tpu.memory_space<vmem>>, %arg1: memref<16x640xf32, #tpu.memory_space<vmem>>, %arg2: memref<16x128xf32, #tpu.memory_space<vmem>>, %arg3: memref<16x128xf32, #tpu.memory_space<vmem>>, %arg4: memref<16x128xf32, #tpu.memory_space<vmem>>, %arg5: memref<16x128xf32, #tpu.memory_space<vmem>>, %arg6: memref<16x128xf32, #tpu.memory_space<vmem>>, %arg7: memref<16x128xi32, #tpu.memory_space<vmem>>, %arg8: memref<1x1xf32, #tpu.memory_space<vmem>>) attributes {dimension_semantics = [], scalar_prefetch = 0 : i64, scratch_operands = 0 : i64, tpu.core_type = #tpu.core_type<tc>} {
    %get3A = arith.constant 0 : index
    %get3A_0 = arith.constant 0 : index
    %get3A_1 = vector.load %arg7[%get3A, %get3A_0] : memref<16x128xi32, #tpu.memory_space<vmem>>, vector<16x128xi32>
    %convert_element_type3A = arith.sitofp %get3A_1 : vector<16x128xi32> to vector<16x128xf32>
    %get3A_2 = arith.constant 0 : index
    %get3A_3 = arith.constant 0 : index
    %get3A_4 = vector.load %arg1[%get3A_2, %get3A_3] : memref<16x640xf32, #tpu.memory_space<vmem>>, vector<16x640xf32>
    %slice3A = vector.extract_strided_slice %get3A_4 {offsets = [0, 0], sizes = [16, 128], strides = [1, 1]} : vector<16x640xf32> to vector<16x128xf32>
    %slice3A_5 = vector.extract_strided_slice %get3A_4 {offsets = [0, 128], sizes = [16, 128], strides = [1, 1]} : vector<16x640xf32> to vector<16x128xf32>
    %slice3A_6 = vector.extract_strided_slice %get3A_4 {offsets = [0, 256], sizes = [16, 128], strides = [1, 1]} : vector<16x640xf32> to vector<16x128xf32>
    %slice3A_7 = vector.extract_strided_slice %get3A_4 {offsets = [0, 384], sizes = [16, 128], strides = [1, 1]} : vector<16x640xf32> to vector<16x128xf32>
    %slice3A_8 = vector.extract_strided_slice %get3A_4 {offsets = [0, 512], sizes = [16, 128], strides = [1, 1]} : vector<16x640xf32> to vector<16x128xf32>
    %get3A_9 = arith.constant 0 : index
    %get3A_10 = arith.constant 0 : index
    %get3A_11 = vector.load %arg2[%get3A_9, %get3A_10] : memref<16x128xf32, #tpu.memory_space<vmem>>, vector<16x128xf32>
    %get3A_12 = arith.constant 0 : index
    %get3A_13 = arith.constant 0 : index
    %get3A_14 = vector.load %arg3[%get3A_12, %get3A_13] : memref<16x128xf32, #tpu.memory_space<vmem>>, vector<16x128xf32>
    %get3A_15 = arith.constant 0 : index
    %get3A_16 = arith.constant 0 : index
    %get3A_17 = vector.load %arg4[%get3A_15, %get3A_16] : memref<16x128xf32, #tpu.memory_space<vmem>>, vector<16x128xf32>
    %get3A_18 = arith.constant 0 : index
    %get3A_19 = arith.constant 0 : index
    %get3A_20 = vector.load %arg5[%get3A_18, %get3A_19] : memref<16x128xf32, #tpu.memory_space<vmem>>, vector<16x128xf32>
    %get3A_21 = arith.constant 0 : index
    %get3A_22 = arith.constant 0 : index
    %get3A_23 = vector.load %arg6[%get3A_21, %get3A_22] : memref<16x128xf32, #tpu.memory_space<vmem>>, vector<16x128xf32>
    %max3A = arith.constant 0.000000e+00 : f32
    %max3A_24 = vector.broadcast %max3A : f32 to vector<16x128xf32>
    %max3A_25 = arith.maximumf %slice3A_8, %max3A_24 : vector<16x128xf32>
    %jit3A = arith.constant 0.000000e+00 : f32
    %jit3A_26 = arith.constant 1.799900e+02 : f32
    %max3A_27 = vector.broadcast %jit3A : f32 to vector<16x128xf32>
    %max3A_28 = arith.maximumf %max3A_27, %max3A_25 : vector<16x128xf32>
    %min3A = vector.broadcast %jit3A_26 : f32 to vector<16x128xf32>
    %min3A_29 = arith.minimumf %min3A, %max3A_28 : vector<16x128xf32>
    %reduce_sum3A = vector.shape_cast %convert_element_type3A : vector<16x128xf32> to vector<1x16x128xf32>
    %reduce_sum3A_30 = arith.constant dense<0.000000e+00> : vector<1xf32>
    %reduce_sum3A_31 = vector.multi_reduction <add>, %reduce_sum3A, %reduce_sum3A_30 [1, 2] : vector<1x16x128xf32> to vector<1xf32>
    %reduce_sum3A_32 = vector.shape_cast %reduce_sum3A_31 : vector<1xf32> to vector<1x1x1xf32>
    %reduce_sum3A_33 = vector.extract %reduce_sum3A_32[0, 0, 0] : f32 from vector<1x1x1xf32>
    %mul3A = arith.mulf %slice3A_6, %convert_element_type3A : vector<16x128xf32>
    %mul3A_34 = arith.mulf %get3A_17, %convert_element_type3A : vector<16x128xf32>
    %sub3A = arith.subf %mul3A, %mul3A_34 : vector<16x128xf32>
    %abs3A = math.absf %sub3A : vector<16x128xf32>
    %lt3A = arith.constant 1.000000e+00 : f32
    %lt3A_35 = vector.broadcast %lt3A : f32 to vector<16x128xf32>
    %lt3A_36 = arith.cmpf olt, %abs3A, %lt3A_35 : vector<16x128xf32>
    %mul3A_37 = arith.constant 5.000000e-01 : f32
    %mul3A_38 = vector.broadcast %mul3A_37 : f32 to vector<16x128xf32>
    %mul3A_39 = arith.mulf %mul3A_38, %sub3A : vector<16x128xf32>
    %mul3A_40 = arith.mulf %mul3A_39, %sub3A : vector<16x128xf32>
    %sub3A_41 = arith.constant 5.000000e-01 : f32
    %sub3A_42 = vector.broadcast %sub3A_41 : f32 to vector<16x128xf32>
    %sub3A_43 = arith.subf %abs3A, %sub3A_42 : vector<16x128xf32>
    %select_n3A = arith.select %lt3A_36, %mul3A_40, %sub3A_43 : vector<16x128xi1>, vector<16x128xf32>
    %reduce_sum3A_44 = vector.shape_cast %select_n3A : vector<16x128xf32> to vector<1x16x128xf32>
    %reduce_sum3A_45 = arith.constant dense<0.000000e+00> : vector<1xf32>
    %reduce_sum3A_46 = vector.multi_reduction <add>, %reduce_sum3A_44, %reduce_sum3A_45 [1, 2] : vector<1x16x128xf32> to vector<1xf32>
    %reduce_sum3A_47 = vector.shape_cast %reduce_sum3A_46 : vector<1xf32> to vector<1x1x1xf32>
    %reduce_sum3A_48 = vector.extract %reduce_sum3A_47[0, 0, 0] : f32 from vector<1x1x1xf32>
    %mul3A_49 = arith.mulf %slice3A_7, %convert_element_type3A : vector<16x128xf32>
    %mul3A_50 = arith.mulf %get3A_20, %convert_element_type3A : vector<16x128xf32>
    %sub3A_51 = arith.subf %mul3A_49, %mul3A_50 : vector<16x128xf32>
    %abs3A_52 = math.absf %sub3A_51 : vector<16x128xf32>
    %lt3A_53 = arith.constant 1.000000e+00 : f32
    %lt3A_54 = vector.broadcast %lt3A_53 : f32 to vector<16x128xf32>
    %lt3A_55 = arith.cmpf olt, %abs3A_52, %lt3A_54 : vector<16x128xf32>
    %mul3A_56 = arith.constant 5.000000e-01 : f32
    %mul3A_57 = vector.broadcast %mul3A_56 : f32 to vector<16x128xf32>
    %mul3A_58 = arith.mulf %mul3A_57, %sub3A_51 : vector<16x128xf32>
    %mul3A_59 = arith.mulf %mul3A_58, %sub3A_51 : vector<16x128xf32>
    %sub3A_60 = arith.constant 5.000000e-01 : f32
    %sub3A_61 = vector.broadcast %sub3A_60 : f32 to vector<16x128xf32>
    %sub3A_62 = arith.subf %abs3A_52, %sub3A_61 : vector<16x128xf32>
    %select_n3A_63 = arith.select %lt3A_55, %mul3A_59, %sub3A_62 : vector<16x128xi1>, vector<16x128xf32>
    %reduce_sum3A_64 = vector.shape_cast %select_n3A_63 : vector<16x128xf32> to vector<1x16x128xf32>
    %reduce_sum3A_65 = arith.constant dense<0.000000e+00> : vector<1xf32>
    %reduce_sum3A_66 = vector.multi_reduction <add>, %reduce_sum3A_64, %reduce_sum3A_65 [1, 2] : vector<1x16x128xf32> to vector<1xf32>
    %reduce_sum3A_67 = vector.shape_cast %reduce_sum3A_66 : vector<1xf32> to vector<1x1x1xf32>
    %reduce_sum3A_68 = vector.extract %reduce_sum3A_67[0, 0, 0] : f32 from vector<1x1x1xf32>
    %add3A = arith.addf %reduce_sum3A_48, %reduce_sum3A_68 : f32
    %mul3A_69 = arith.constant 2.000000e+00 : f32
    %mul3A_70 = arith.mulf %mul3A_69, %reduce_sum3A_33 : f32
    %add3A_71 = arith.constant 9.99999974E-5 : f32
    %add3A_72 = arith.addf %mul3A_70, %add3A_71 : f32
    %div3A = arith.divf %add3A, %add3A_72 : f32
    %mul3A_73 = arith.mulf %min3A_29, %convert_element_type3A : vector<16x128xf32>
    %mul3A_74 = arith.mulf %get3A_23, %convert_element_type3A : vector<16x128xf32>
    %sub3A_75 = arith.subf %mul3A_73, %mul3A_74 : vector<16x128xf32>
    %abs3A_76 = math.absf %sub3A_75 : vector<16x128xf32>
    %lt3A_77 = arith.constant 1.000000e+00 : f32
    %lt3A_78 = vector.broadcast %lt3A_77 : f32 to vector<16x128xf32>
    %lt3A_79 = arith.cmpf olt, %abs3A_76, %lt3A_78 : vector<16x128xf32>
    %mul3A_80 = arith.constant 5.000000e-01 : f32
    %mul3A_81 = vector.broadcast %mul3A_80 : f32 to vector<16x128xf32>
    %mul3A_82 = arith.mulf %mul3A_81, %sub3A_75 : vector<16x128xf32>
    %mul3A_83 = arith.mulf %mul3A_82, %sub3A_75 : vector<16x128xf32>
    %sub3A_84 = arith.constant 5.000000e-01 : f32
    %sub3A_85 = vector.broadcast %sub3A_84 : f32 to vector<16x128xf32>
    %sub3A_86 = arith.subf %abs3A_76, %sub3A_85 : vector<16x128xf32>
    %select_n3A_87 = arith.select %lt3A_79, %mul3A_83, %sub3A_86 : vector<16x128xi1>, vector<16x128xf32>
    %reduce_sum3A_88 = vector.shape_cast %select_n3A_87 : vector<16x128xf32> to vector<1x16x128xf32>
    %reduce_sum3A_89 = arith.constant dense<0.000000e+00> : vector<1xf32>
    %reduce_sum3A_90 = vector.multi_reduction <add>, %reduce_sum3A_88, %reduce_sum3A_89 [1, 2] : vector<1x16x128xf32> to vector<1xf32>
    %reduce_sum3A_91 = vector.shape_cast %reduce_sum3A_90 : vector<1xf32> to vector<1x1x1xf32>
    %reduce_sum3A_92 = vector.extract %reduce_sum3A_91[0, 0, 0] : f32 from vector<1x1x1xf32>
    %add3A_93 = arith.constant 9.99999974E-5 : f32
    %add3A_94 = arith.addf %reduce_sum3A_33, %add3A_93 : f32
    %div3A_95 = arith.divf %reduce_sum3A_92, %add3A_94 : f32
    %mul3A_96 = arith.mulf %slice3A, %convert_element_type3A : vector<16x128xf32>
    %mul3A_97 = arith.mulf %get3A_11, %convert_element_type3A : vector<16x128xf32>
    %sub3A_98 = arith.subf %mul3A_96, %mul3A_97 : vector<16x128xf32>
    %abs3A_99 = math.absf %sub3A_98 : vector<16x128xf32>
    %lt3A_100 = arith.constant 1.000000e+00 : f32
    %lt3A_101 = vector.broadcast %lt3A_100 : f32 to vector<16x128xf32>
    %lt3A_102 = arith.cmpf olt, %abs3A_99, %lt3A_101 : vector<16x128xf32>
    %mul3A_103 = arith.constant 5.000000e-01 : f32
    %mul3A_104 = vector.broadcast %mul3A_103 : f32 to vector<16x128xf32>
    %mul3A_105 = arith.mulf %mul3A_104, %sub3A_98 : vector<16x128xf32>
    %mul3A_106 = arith.mulf %mul3A_105, %sub3A_98 : vector<16x128xf32>
    %sub3A_107 = arith.constant 5.000000e-01 : f32
    %sub3A_108 = vector.broadcast %sub3A_107 : f32 to vector<16x128xf32>
    %sub3A_109 = arith.subf %abs3A_99, %sub3A_108 : vector<16x128xf32>
    %select_n3A_110 = arith.select %lt3A_102, %mul3A_106, %sub3A_109 : vector<16x128xi1>, vector<16x128xf32>
    %reduce_sum3A_111 = vector.shape_cast %select_n3A_110 : vector<16x128xf32> to vector<1x16x128xf32>
    %reduce_sum3A_112 = arith.constant dense<0.000000e+00> : vector<1xf32>
    %reduce_sum3A_113 = vector.multi_reduction <add>, %reduce_sum3A_111, %reduce_sum3A_112 [1, 2] : vector<1x16x128xf32> to vector<1xf32>
    %reduce_sum3A_114 = vector.shape_cast %reduce_sum3A_113 : vector<1xf32> to vector<1x1x1xf32>
    %reduce_sum3A_115 = vector.extract %reduce_sum3A_114[0, 0, 0] : f32 from vector<1x1x1xf32>
    %mul3A_116 = arith.mulf %slice3A_5, %convert_element_type3A : vector<16x128xf32>
    %mul3A_117 = arith.mulf %get3A_14, %convert_element_type3A : vector<16x128xf32>
    %sub3A_118 = arith.subf %mul3A_116, %mul3A_117 : vector<16x128xf32>
    %abs3A_119 = math.absf %sub3A_118 : vector<16x128xf32>
    %lt3A_120 = arith.constant 1.000000e+00 : f32
    %lt3A_121 = vector.broadcast %lt3A_120 : f32 to vector<16x128xf32>
    %lt3A_122 = arith.cmpf olt, %abs3A_119, %lt3A_121 : vector<16x128xf32>
    %mul3A_123 = arith.constant 5.000000e-01 : f32
    %mul3A_124 = vector.broadcast %mul3A_123 : f32 to vector<16x128xf32>
    %mul3A_125 = arith.mulf %mul3A_124, %sub3A_118 : vector<16x128xf32>
    %mul3A_126 = arith.mulf %mul3A_125, %sub3A_118 : vector<16x128xf32>
    %sub3A_127 = arith.constant 5.000000e-01 : f32
    %sub3A_128 = vector.broadcast %sub3A_127 : f32 to vector<16x128xf32>
    %sub3A_129 = arith.subf %abs3A_119, %sub3A_128 : vector<16x128xf32>
    %select_n3A_130 = arith.select %lt3A_122, %mul3A_126, %sub3A_129 : vector<16x128xi1>, vector<16x128xf32>
    %reduce_sum3A_131 = vector.shape_cast %select_n3A_130 : vector<16x128xf32> to vector<1x16x128xf32>
    %reduce_sum3A_132 = arith.constant dense<0.000000e+00> : vector<1xf32>
    %reduce_sum3A_133 = vector.multi_reduction <add>, %reduce_sum3A_131, %reduce_sum3A_132 [1, 2] : vector<1x16x128xf32> to vector<1xf32>
    %reduce_sum3A_134 = vector.shape_cast %reduce_sum3A_133 : vector<1xf32> to vector<1x1x1xf32>
    %reduce_sum3A_135 = vector.extract %reduce_sum3A_134[0, 0, 0] : f32 from vector<1x1x1xf32>
    %add3A_136 = arith.addf %reduce_sum3A_115, %reduce_sum3A_135 : f32
    %mul3A_137 = arith.constant 2.000000e+00 : f32
    %mul3A_138 = arith.mulf %mul3A_137, %reduce_sum3A_33 : f32
    %add3A_139 = arith.constant 9.99999974E-5 : f32
    %add3A_140 = arith.addf %mul3A_138, %add3A_139 : f32
    %div3A_141 = arith.divf %add3A_136, %add3A_140 : f32
    %mul3A_142 = arith.mulf %min3A_29, %convert_element_type3A : vector<16x128xf32>
    %mul3A_143 = arith.constant 0.0174532924 : f32
    %mul3A_144 = vector.broadcast %mul3A_143 : f32 to vector<16x128xf32>
    %mul3A_145 = arith.mulf %mul3A_142, %mul3A_144 : vector<16x128xf32>
    %mul3A_146 = arith.mulf %get3A_23, %convert_element_type3A : vector<16x128xf32>
    %mul3A_147 = arith.constant 0.0174532924 : f32
    %mul3A_148 = vector.broadcast %mul3A_147 : f32 to vector<16x128xf32>
    %mul3A_149 = arith.mulf %mul3A_146, %mul3A_148 : vector<16x128xf32>
    %mul3A_150 = arith.mulf %slice3A, %convert_element_type3A : vector<16x128xf32>
    %jit3A_151 = arith.constant 1.000000e-07 : f32
    %jit3A_152 = arith.constant 1.000000e+07 : f32
    %max3A_153 = vector.broadcast %jit3A_151 : f32 to vector<16x128xf32>
    %max3A_154 = arith.maximumf %max3A_153, %mul3A_150 : vector<16x128xf32>
    %min3A_155 = vector.broadcast %jit3A_152 : f32 to vector<16x128xf32>
    %min3A_156 = arith.minimumf %min3A_155, %max3A_154 : vector<16x128xf32>
    %mul3A_157 = arith.mulf %slice3A_5, %convert_element_type3A : vector<16x128xf32>
    %jit3A_158 = arith.constant 1.000000e-07 : f32
    %jit3A_159 = arith.constant 1.000000e+07 : f32
    %max3A_160 = vector.broadcast %jit3A_158 : f32 to vector<16x128xf32>
    %max3A_161 = arith.maximumf %max3A_160, %mul3A_157 : vector<16x128xf32>
    %min3A_162 = vector.broadcast %jit3A_159 : f32 to vector<16x128xf32>
    %min3A_163 = arith.minimumf %min3A_162, %max3A_161 : vector<16x128xf32>
    %mul3A_164 = arith.mulf %get3A_11, %convert_element_type3A : vector<16x128xf32>
    %jit3A_165 = arith.constant 1.000000e-07 : f32
    %jit3A_166 = arith.constant 1.000000e+07 : f32
    %max3A_167 = vector.broadcast %jit3A_165 : f32 to vector<16x128xf32>
    %max3A_168 = arith.maximumf %max3A_167, %mul3A_164 : vector<16x128xf32>
    %min3A_169 = vector.broadcast %jit3A_166 : f32 to vector<16x128xf32>
    %min3A_170 = arith.minimumf %min3A_169, %max3A_168 : vector<16x128xf32>
    %mul3A_171 = arith.mulf %get3A_14, %convert_element_type3A : vector<16x128xf32>
    %jit3A_172 = arith.constant 1.000000e-07 : f32
    %jit3A_173 = arith.constant 1.000000e+07 : f32
    %max3A_174 = vector.broadcast %jit3A_172 : f32 to vector<16x128xf32>
    %max3A_175 = arith.maximumf %max3A_174, %mul3A_171 : vector<16x128xf32>
    %min3A_176 = vector.broadcast %jit3A_173 : f32 to vector<16x128xf32>
    %min3A_177 = arith.minimumf %min3A_176, %max3A_175 : vector<16x128xf32>
    %cos3A = math.cos %mul3A_145 : vector<16x128xf32>
    %sin3A = math.sin %mul3A_145 : vector<16x128xf32>
    %cos3A_178 = math.cos %mul3A_149 : vector<16x128xf32>
    %sin3A_179 = math.sin %mul3A_149 : vector<16x128xf32>
    %mul3A_180 = arith.constant 2.500000e-01 : f32
    %mul3A_181 = vector.broadcast %mul3A_180 : f32 to vector<16x128xf32>
    %mul3A_182 = arith.mulf %mul3A_181, %min3A_156 : vector<16x128xf32>
    %mul3A_183 = arith.mulf %mul3A_182, %min3A_156 : vector<16x128xf32>
    %mul3A_184 = arith.constant 2.500000e-01 : f32
    %mul3A_185 = vector.broadcast %mul3A_184 : f32 to vector<16x128xf32>
    %mul3A_186 = arith.mulf %mul3A_185, %min3A_163 : vector<16x128xf32>
    %mul3A_187 = arith.mulf %mul3A_186, %min3A_163 : vector<16x128xf32>
    %mul3A_188 = arith.constant 2.500000e-01 : f32
    %mul3A_189 = vector.broadcast %mul3A_188 : f32 to vector<16x128xf32>
    %mul3A_190 = arith.mulf %mul3A_189, %min3A_170 : vector<16x128xf32>
    %mul3A_191 = arith.mulf %mul3A_190, %min3A_170 : vector<16x128xf32>
    %mul3A_192 = arith.constant 2.500000e-01 : f32
    %mul3A_193 = vector.broadcast %mul3A_192 : f32 to vector<16x128xf32>
    %mul3A_194 = arith.mulf %mul3A_193, %min3A_177 : vector<16x128xf32>
    %mul3A_195 = arith.mulf %mul3A_194, %min3A_177 : vector<16x128xf32>
    %mul3A_196 = arith.mulf %mul3A_183, %cos3A : vector<16x128xf32>
    %mul3A_197 = arith.mulf %mul3A_196, %cos3A : vector<16x128xf32>
    %mul3A_198 = arith.mulf %mul3A_187, %sin3A : vector<16x128xf32>
    %mul3A_199 = arith.mulf %mul3A_198, %sin3A : vector<16x128xf32>
    %add3A_200 = arith.addf %mul3A_197, %mul3A_199 : vector<16x128xf32>
    %mul3A_201 = arith.mulf %mul3A_183, %sin3A : vector<16x128xf32>
    %mul3A_202 = arith.mulf %mul3A_201, %sin3A : vector<16x128xf32>
    %mul3A_203 = arith.mulf %mul3A_187, %cos3A : vector<16x128xf32>
    %mul3A_204 = arith.mulf %mul3A_203, %cos3A : vector<16x128xf32>
    %add3A_205 = arith.addf %mul3A_202, %mul3A_204 : vector<16x128xf32>
    %sub3A_206 = arith.subf %mul3A_183, %mul3A_187 : vector<16x128xf32>
    %mul3A_207 = arith.mulf %sub3A_206, %sin3A : vector<16x128xf32>
    %mul3A_208 = arith.mulf %mul3A_207, %cos3A : vector<16x128xf32>
    %mul3A_209 = arith.mulf %mul3A_191, %cos3A_178 : vector<16x128xf32>
    %mul3A_210 = arith.mulf %mul3A_209, %cos3A_178 : vector<16x128xf32>
    %mul3A_211 = arith.mulf %mul3A_195, %sin3A_179 : vector<16x128xf32>
    %mul3A_212 = arith.mulf %mul3A_211, %sin3A_179 : vector<16x128xf32>
    %add3A_213 = arith.addf %mul3A_210, %mul3A_212 : vector<16x128xf32>
    %mul3A_214 = arith.mulf %mul3A_191, %sin3A_179 : vector<16x128xf32>
    %mul3A_215 = arith.mulf %mul3A_214, %sin3A_179 : vector<16x128xf32>
    %mul3A_216 = arith.mulf %mul3A_195, %cos3A_178 : vector<16x128xf32>
    %mul3A_217 = arith.mulf %mul3A_216, %cos3A_178 : vector<16x128xf32>
    %add3A_218 = arith.addf %mul3A_215, %mul3A_217 : vector<16x128xf32>
    %sub3A_219 = arith.subf %mul3A_191, %mul3A_195 : vector<16x128xf32>
    %mul3A_220 = arith.mulf %sub3A_219, %sin3A_179 : vector<16x128xf32>
    %mul3A_221 = arith.mulf %mul3A_220, %cos3A_178 : vector<16x128xf32>
    %add3A_222 = arith.addf %mul3A_183, %mul3A_187 : vector<16x128xf32>
    %add3A_223 = arith.addf %add3A_222, %mul3A_191 : vector<16x128xf32>
    %add3A_224 = arith.addf %add3A_223, %mul3A_195 : vector<16x128xf32>
    %mul3A_225 = arith.mulf %add3A_200, %add3A_213 : vector<16x128xf32>
    %mul3A_226 = arith.constant 2.000000e+00 : f32
    %mul3A_227 = vector.broadcast %mul3A_226 : f32 to vector<16x128xf32>
    %mul3A_228 = arith.mulf %mul3A_227, %mul3A_208 : vector<16x128xf32>
    %mul3A_229 = arith.mulf %mul3A_228, %mul3A_221 : vector<16x128xf32>
    %add3A_230 = arith.addf %mul3A_225, %mul3A_229 : vector<16x128xf32>
    %mul3A_231 = arith.mulf %add3A_205, %add3A_218 : vector<16x128xf32>
    %add3A_232 = arith.addf %add3A_230, %mul3A_231 : vector<16x128xf32>
    %mul3A_233 = arith.constant 2.500000e-01 : f32
    %mul3A_234 = vector.broadcast %mul3A_233 : f32 to vector<16x128xf32>
    %mul3A_235 = arith.mulf %mul3A_234, %min3A_156 : vector<16x128xf32>
    %mul3A_236 = arith.mulf %mul3A_235, %min3A_163 : vector<16x128xf32>
    %mul3A_237 = arith.constant 2.500000e-01 : f32
    %mul3A_238 = vector.broadcast %mul3A_237 : f32 to vector<16x128xf32>
    %mul3A_239 = arith.mulf %mul3A_238, %min3A_170 : vector<16x128xf32>
    %mul3A_240 = arith.mulf %mul3A_239, %min3A_177 : vector<16x128xf32>
    %mul3A_241 = arith.mulf %mul3A_236, %mul3A_240 : vector<16x128xf32>
    %mul3A_242 = arith.constant 2.000000e+00 : f32
    %mul3A_243 = vector.broadcast %mul3A_242 : f32 to vector<16x128xf32>
    %mul3A_244 = arith.mulf %mul3A_243, %mul3A_241 : vector<16x128xf32>
    %add3A_245 = arith.addf %add3A_232, %mul3A_244 : vector<16x128xf32>
    %jit3A_246 = arith.constant 0.000000e+00 : f32
    %max3A_247 = vector.broadcast %jit3A_246 : f32 to vector<16x128xf32>
    %max3A_248 = arith.maximumf %max3A_247, %add3A_245 : vector<16x128xf32>
    %sqrt3A = math.sqrt %max3A_248 : vector<16x128xf32>
    %mul3A_249 = arith.constant 2.000000e+00 : f32
    %mul3A_250 = vector.broadcast %mul3A_249 : f32 to vector<16x128xf32>
    %mul3A_251 = arith.mulf %mul3A_250, %sqrt3A : vector<16x128xf32>
    %sub3A_252 = arith.subf %add3A_224, %mul3A_251 : vector<16x128xf32>
    %jit3A_253 = arith.constant 0.000000e+00 : f32
    %max3A_254 = vector.broadcast %jit3A_253 : f32 to vector<16x128xf32>
    %max3A_255 = arith.maximumf %max3A_254, %sub3A_252 : vector<16x128xf32>
    %sqrt3A_256 = math.sqrt %max3A_255 : vector<16x128xf32>
    %add3A_257 = arith.constant 1.000000e+00 : f32
    %add3A_258 = vector.broadcast %add3A_257 : f32 to vector<16x128xf32>
    %add3A_259 = arith.addf %add3A_258, %sqrt3A_256 : vector<16x128xf32>
    %div3A_260 = arith.constant 1.000000e+00 : f32
    %div3A_261 = vector.broadcast %div3A_260 : f32 to vector<16x128xf32>
    %div3A_262 = arith.divf %div3A_261, %add3A_259 : vector<16x128xf32>
    %sub3A_263 = arith.constant 1.000000e+00 : f32
    %sub3A_264 = vector.broadcast %sub3A_263 : f32 to vector<16x128xf32>
    %sub3A_265 = arith.subf %sub3A_264, %div3A_262 : vector<16x128xf32>
    %reduce_sum3A_266 = vector.shape_cast %sub3A_265 : vector<16x128xf32> to vector<1x16x128xf32>
    %reduce_sum3A_267 = arith.constant dense<0.000000e+00> : vector<1xf32>
    %reduce_sum3A_268 = vector.multi_reduction <add>, %reduce_sum3A_266, %reduce_sum3A_267 [1, 2] : vector<1x16x128xf32> to vector<1xf32>
    %reduce_sum3A_269 = vector.shape_cast %reduce_sum3A_268 : vector<1xf32> to vector<1x1x1xf32>
    %reduce_sum3A_270 = vector.extract %reduce_sum3A_269[0, 0, 0] : f32 from vector<1x1x1xf32>
    %add3A_271 = arith.constant 9.99999974E-5 : f32
    %add3A_272 = arith.addf %reduce_sum3A_33, %add3A_271 : f32
    %div3A_273 = arith.divf %reduce_sum3A_270, %add3A_272 : f32
    %get3A_274 = arith.constant 0 : index
    %get3A_275 = arith.constant 0 : index
    %get3A_276 = vector.load %arg0[%get3A_274, %get3A_275] : memref<128x128xf32, #tpu.memory_space<vmem>>, vector<128x128xf32>
    %reduce_sum3A_277 = vector.shape_cast %get3A_276 : vector<128x128xf32> to vector<1x128x128xf32>
    %reduce_sum3A_278 = arith.constant dense<0.000000e+00> : vector<1xf32>
    %reduce_sum3A_279 = vector.multi_reduction <add>, %reduce_sum3A_277, %reduce_sum3A_278 [1, 2] : vector<1x128x128xf32> to vector<1xf32>
    %reduce_sum3A_280 = vector.shape_cast %reduce_sum3A_279 : vector<1xf32> to vector<1x1x1xf32>
    %reduce_sum3A_281 = vector.extract %reduce_sum3A_280[0, 0, 0] : f32 from vector<1x1x1xf32>
    %neg3A = arith.constant 0.000000e+00 : f32
    %neg3A_282 = arith.subf %neg3A, %reduce_sum3A_281 : f32
    %mul3A_283 = arith.constant 1.000000e+00 : f32
    %mul3A_284 = arith.mulf %mul3A_283, %neg3A_282 : f32
    %mul3A_285 = arith.constant 1.000000e-01 : f32
    %mul3A_286 = arith.mulf %mul3A_285, %div3A_141 : f32
    %add3A_287 = arith.addf %mul3A_284, %mul3A_286 : f32
    %mul3A_288 = arith.constant 1.000000e+00 : f32
    %mul3A_289 = arith.mulf %mul3A_288, %div3A : f32
    %add3A_290 = arith.addf %add3A_287, %mul3A_289 : f32
    %mul3A_291 = arith.constant 1.000000e-01 : f32
    %mul3A_292 = arith.mulf %mul3A_291, %div3A_95 : f32
    %add3A_293 = arith.addf %add3A_290, %mul3A_292 : f32
    %mul3A_294 = arith.constant 1.000000e+00 : f32
    %mul3A_295 = arith.mulf %mul3A_294, %div3A_273 : f32
    %add3A_296 = arith.addf %add3A_293, %mul3A_295 : f32
    %broadcast_in_dim3A = vector.broadcast %add3A_296 : f32 to vector<1x1xf32>
    %swap3A = arith.constant 0 : index
    %swap3A_297 = arith.constant 0 : index
    %swap3A_298 = vector.load %arg8[%swap3A, %swap3A_297] : memref<1x1xf32, #tpu.memory_space<vmem>>, vector<1x1xf32>
    tpu.vector_store %arg8[%swap3A, %swap3A_297], %broadcast_in_dim3A {strides = array<i32>} : memref<1x1xf32, #tpu.memory_space<vmem>>, vector<1x1xf32>,
    return
  }
}

module attributes {stable_mosaic.version = 14 : i64} {
  func.func @_focal_body(%arg0: i32, %arg1: memref<40x128x128xf32, #tpu.memory_space<vmem>>, %arg2: memref<40x128x128xf32, #tpu.memory_space<vmem>>, %arg3: memref<128x128xf32, #tpu.memory_space<vmem>>) attributes {dimension_semantics = [#tpu.dimension_semantics<arbitrary>], iteration_bounds = array<i64: 6>, scalar_prefetch = 0 : i64, scratch_operands = 0 : i64, tpu.core_type = #tpu.core_type<tc>, window_params = [{transform_indices = @transform_0, window_bounds = array<i64: 40, 128, 128>}, {transform_indices = @transform_1, window_bounds = array<i64: 40, 128, 128>}, {pipeline_mode = #tpu.pipeline_mode<synchronous>, transform_indices = @transform_2, window_bounds = array<i64: 128, 128>}]} {
    %eq3A = arith.constant 0 : i32
    %eq3A_0 = arith.cmpi eq, %arg0, %eq3A : i32
    %convert_element_type3A = arith.extui %eq3A_0 : i1 to i32
    %cond3A = arith.constant 0 : i32
    %cond3A_1 = arith.cmpi ne, %convert_element_type3A, %cond3A : i32
    scf.if %cond3A_1 {
      %broadcast_in_dim3A = arith.constant 0.000000e+00 : f32
      %broadcast_in_dim3A_32 = vector.broadcast %broadcast_in_dim3A : f32 to vector<128x128xf32>
      %swap3A_33 = arith.constant 0 : index
      %swap3A_34 = arith.constant 0 : index
      %swap3A_35 = vector.load %arg3[%swap3A_33, %swap3A_34] : memref<128x128xf32, #tpu.memory_space<vmem>>, vector<128x128xf32>
      tpu.vector_store %arg3[%swap3A_33, %swap3A_34], %broadcast_in_dim3A_32 {strides = array<i32>} : memref<128x128xf32, #tpu.memory_space<vmem>>, vector<128x128xf32>,
    } else {
    }
    %get3A = arith.constant 0 : index
    %get3A_2 = arith.constant 0 : index
    %get3A_3 = arith.constant 0 : index
    %get3A_4 = vector.load %arg1[%get3A, %get3A_2, %get3A_3] : memref<40x128x128xf32, #tpu.memory_space<vmem>>, vector<40x128x128xf32>
    %get3A_5 = arith.constant 0 : index
    %get3A_6 = arith.constant 0 : index
    %get3A_7 = arith.constant 0 : index
    %get3A_8 = vector.load %arg2[%get3A_5, %get3A_6, %get3A_7] : memref<40x128x128xf32, #tpu.memory_space<vmem>>, vector<40x128x128xf32>
    %logistic3A = arith.negf %get3A_4 : vector<40x128x128xf32>
    %logistic3A_9 = math.exp %logistic3A : vector<40x128x128xf32>
    %logistic3A_10 = arith.constant 1.000000e+00 : f32
    %logistic3A_11 = vector.broadcast %logistic3A_10 : f32 to vector<40x128x128xf32>
    %logistic3A_12 = arith.addf %logistic3A_11, %logistic3A_9 : vector<40x128x128xf32>
    %logistic3A_13 = arith.divf %logistic3A_11, %logistic3A_12 : vector<40x128x128xf32>
    %jit3A = arith.constant 9.99999974E-5 : f32
    %jit3A_14 = arith.constant 0.999899983 : f32
    %max3A = vector.broadcast %jit3A : f32 to vector<40x128x128xf32>
    %max3A_15 = arith.maximumf %max3A, %logistic3A_13 : vector<40x128x128xf32>
    %min3A = vector.broadcast %jit3A_14 : f32 to vector<40x128x128xf32>
    %min3A_16 = arith.minimumf %min3A, %max3A_15 : vector<40x128x128xf32>
    %sub3A = arith.constant 1.000000e+00 : f32
    %sub3A_17 = vector.broadcast %sub3A : f32 to vector<40x128x128xf32>
    %sub3A_18 = arith.subf %sub3A_17, %get3A_8 : vector<40x128x128xf32>
    %mul3A = arith.mulf %sub3A_18, %sub3A_18 : vector<40x128x128xf32>
    %sub3A_19 = arith.constant 1.000000e+00 : f32
    %sub3A_20 = vector.broadcast %sub3A_19 : f32 to vector<40x128x128xf32>
    %sub3A_21 = arith.subf %sub3A_20, %min3A_16 : vector<40x128x128xf32>
    %log3A = math.log %sub3A_21 : vector<40x128x128xf32>
    %mul3A_22 = arith.mulf %min3A_16, %min3A_16 : vector<40x128x128xf32>
    %mul3A_23 = arith.mulf %log3A, %mul3A_22 : vector<40x128x128xf32>
    %mul3A_24 = arith.mulf %mul3A, %mul3A : vector<40x128x128xf32>
    %mul3A_25 = arith.mulf %mul3A_23, %mul3A_24 : vector<40x128x128xf32>
    %get3A_26 = arith.constant 0 : index
    %get3A_27 = arith.constant 0 : index
    %get3A_28 = vector.load %arg3[%get3A_26, %get3A_27] : memref<128x128xf32, #tpu.memory_space<vmem>>, vector<128x128xf32>
    %reduce_sum3A = arith.constant dense<0.000000e+00> : vector<128x128xf32>
    %reduce_sum3A_29 = vector.multi_reduction <add>, %mul3A_25, %reduce_sum3A [0] : vector<40x128x128xf32> to vector<128x128xf32>
    %add3A = arith.addf %get3A_28, %reduce_sum3A_29 : vector<128x128xf32>
    %swap3A = arith.constant 0 : index
    %swap3A_30 = arith.constant 0 : index
    %swap3A_31 = vector.load %arg3[%swap3A, %swap3A_30] : memref<128x128xf32, #tpu.memory_space<vmem>>, vector<128x128xf32>
    tpu.vector_store %arg3[%swap3A, %swap3A_30], %add3A {strides = array<i32>} : memref<128x128xf32, #tpu.memory_space<vmem>>, vector<128x128xf32>,
    return
  }
  func.func @transform_0(%arg0: i32) -> (i32, i32, i32) {
    %c0_i32 = arith.constant 0 : i32
    %c0_i32_0 = arith.constant 0 : i32
    %c0_i32_1 = arith.constant 0 : i32
    return %arg0, %c0_i32, %c0_i32_0 : i32, i32, i32
  }
  func.func @transform_1(%arg0: i32) -> (i32, i32, i32) {
    %c0_i32 = arith.constant 0 : i32
    %c0_i32_0 = arith.constant 0 : i32
    %c0_i32_1 = arith.constant 0 : i32
    return %arg0, %c0_i32, %c0_i32_0 : i32, i32, i32
  }
  func.func @transform_2(%arg0: i32) -> (i32, i32) {
    %c0_i32 = arith.constant 0 : i32
    %c0_i32_0 = arith.constant 0 : i32
    %c0_i32_1 = arith.constant 0 : i32
    return %c0_i32, %c0_i32_0 : i32, i32
  }
}

</mosaic_0001>

<sc_bundles>
// kernel: kernel.5.cloned.1.call-start
scs
__scs_entry_jumppad:
0x0: {  	(pc) =	sbr.rel $0x88, $3  }
0x1: {  	(tag) =	ssettag $0x0;
	lr =	simm.s32 $0x1  }
0x2: {  	[smem:$0x3F97] =	sst lr;
	_ =	strace $0xD0000000  }
0x3: {  	_ = 	snop  }
0x4: {  	_ = 	snop  }
0x5: {  	_ = 	snop  }
0x6: {  	_ = 	snop  }
0x7: {  	_ = 	snop  }
__scs_overlays_trampoline_lowered:
0x8: {  	[smem:$0x3FA6] =	sst s0  }
0x9: {  	[smem:$0x3FA7] =	sst s1  }
0xa: {  	[smem:$0x3FA8] =	sst s2  }
0xb: {  	[smem:$0x3FA9] =	sst s3  }
0xc: {  	[smem:$0x3FAA] =	sst s4  }
0xd: {  	[smem:$0x3FAB] =	sst s5  }
0xe: {  	[smem:$0x3FAC] =	sst s6  }
0xf: {  	[smem:$0x3FAD] =	sst s7  }
0x10: {  	[smem:$0x3FAE] =	sst s8  }
0x11: {  	[smem:$0x3FAF] =	sst s9;
	s0 =	simm.s32 @!p0 $0x0  }
0x12: {  	s1 =	sld [smem:$0x3F95];
	s0 =	simm.s32 @p0 $0x1  }
0x13: {  	[smem:$0x3FB0] =	sst s0;
	s0 =	simm.s32 @!p1 $0x0  }
0x14: {  	s2 =	sld [smem:$0x3F94];
	s0 =	simm.s32 @p1 $0x1  }
0x15: {  	[smem:$0x3FB1] =	sst s0;
	s0 =	simm.s32 @!p2 $0x0  }
0x16: {  	s3 =	sld [smem:$0x3FDB];
	s0 =	simm.s32 @p2 $0x1  }
0x17: {  	s4 =	simm.s32 $0x1BF5;
	[smem:$0x3FB3] =	sst s0  }
0x18: {  	s0 =	sld [smem:$0x3F96];
	_ =	swait.ge [sflag:s4], $0x0  }
0x19: {  	s7 =	sld [smem:$0x3F97]  }
0x1a: {  	s8 =	sadd.s32 $0xFFFFE003, lr  }
0x1b: {  	s9 =	sadd.s32 $0xFFFFFEF7, lr;
	s5 =	simm.s32 $0xFFFFFFFF;
	p2 =	slt.u32 s8, $0xFFFFF086  }
0x1c: {  	p1 =	slt.u32 s9, $0xF7A;
	s5 =	simm.s32 @!p2 $0x0  }
0x1d: {  	s5 =	simm.s32 @p1 $0x1;
	p0 =	seq.s32 s7, s2  }
0x1e: {  	s7 =	smul.u32 @!p0 $0xF7A, s2;
	p2 =	seq.s32 @!p0 s5, $0x0  }
0x1f: {  	s9 =	smul.u32 $0xF7A, s1;
	s8 =	simm.s32 @!p0 $0x1BF5;
	p2 =	por !p2, p0  }
0x20: {  	[sflag:s8] =	ssyncset.s32 @!p0 $0xFFFFF086;
	s6 =	sadd.s32 @!p0 s3, s7;
	s7 =	simm.s32 @!p0 $0x108  }
0x21: {  	s3 =	sadd.s32 s3, s9;
	s6 =	sadd.s32 @!p0 $0x88, s6;
	s7 =	simm.s32 @p2 $0x1082  }
0x22: {  	[simem:s7], [sflag:s8] =	dma.local @!p0 [hbm:s6], $0xF7A  }
0x23: {  	s9 =	sor.u32 $0xD0000000, s2;
	s6 =	simm.s32 $0x108;
	_ =	swait.ge @!p0 [sflag:s8], $0x0  }
0x24: {  	s3 =	sadd.s32 $0x88, s3;
	s6 =	simm.s32 @!p1 $0x1082;
	[sflag:s4] =	ssyncset.s32 $0xFFFFF086  }
0x25: {  	[simem:s6], [sflag:s4] =	dma.local [hbm:s3], $0xF7A  }
0x26: {  	[smem:$0x3F97] =	sst s1;
	(tag) =	ssettag s2;
	_ =	strace s9  }
0x27: {  	s1 =	sld [smem:$0x3FA7]  }
0x28: {  	s2 =	sld [smem:$0x3FA8]  }
0x29: {  	s4 =	sld [smem:$0x3FAA]  }
0x2a: {  	p0 =	seq.s32 s5, $0x0;
	s5 =	sld [smem:$0x3FAB]  }
0x2b: {  	s6 =	sld [smem:$0x3FAC]  }
0x2c: {  	s7 =	sld [smem:$0x3FAD]  }
0x2d: {  	s3 =	simm.s32 $0x108;
	s8 =	sld [smem:$0x3FAE]  }
0x2e: {  	s3 =	simm.s32 @!p0 $0x1082;
	s9 =	sld [smem:$0x3FAF]  }
0x2f: {  	lr =	sadd.s32 s0, s3;
	s0 =	sld [smem:$0x3FA6]  }
0x30: {  	s3 =	sld [smem:$0x3FA9]  }
0x31: {  	[smem:$0x3FB2] =	sst s10  }
0x32: {  	s10 =	sld [smem:$0x3FB0];
	_ =	sdelay $0x3  }
0x33: {  	p0 =	seq.s32 s10, $0x1;
	s10 =	sld [smem:$0x3FB2];
	_ =	sdelay $0x3  }
0x34: {  	[smem:$0x3FB2] =	sst s10  }
0x35: {  	s10 =	sld [smem:$0x3FB1];
	_ =	sdelay $0x3  }
0x36: {  	p1 =	seq.s32 s10, $0x1;
	s10 =	sld [smem:$0x3FB2];
	_ =	sdelay $0x3  }
0x37: {  	[smem:$0x3FB2] =	sst s10  }
0x38: {  	s10 =	sld [smem:$0x3FB3]  }
0x39: {  	_ = 	snop;
	(pc) =	sbr.ind lr, $3  }
0x3a: {  	_ = 	snop  }
0x3b: {  	_ = 	snop  }
0x3c: {  	p2 =	seq.s32 s10, $0x1;
	s10 =	sld [smem:$0x3FB2]  }
0x3d: {  	_ =	shalt  }
0x3e: {  	_ =	shalt  }
0x3f: {  	_ =	shalt  }
0x40: {  	_ =	shalt  }
0x41: {  	_ =	shalt  }
0x42: {  	_ =	shalt  }
0x43: {  	_ =	shalt  }
0x44: {  	_ =	shalt  }
0x45: {  	_ =	shalt  }
0x46: {  	_ =	shalt  }
0x47: {  	_ =	shalt  }
0x48: {  	_ =	shalt  }
0x49: {  	_ =	shalt  }
0x4a: {  	_ =	shalt  }
0x4b: {  	_ =	shalt  }
0x4c: {  	_ =	shalt  }
0x4d: {  	_ =	shalt  }
0x4e: {  	_ =	shalt  }
0x4f: {  	_ =	shalt  }
0x50: {  	_ =	shalt  }
0x51: {  	_ =	shalt  }
0x52: {  	_ =	shalt  }
0x53: {  	_ =	shalt  }
0x54: {  	_ =	shalt  }
0x55: {  	_ =	shalt  }
0x56: {  	_ =	shalt  }
0x57: {  	_ =	shalt  }
0x58: {  	_ =	shalt  }
0x59: {  	_ =	shalt  }
0x5a: {  	_ =	shalt  }
0x5b: {  	_ =	shalt  }
0x5c: {  	_ =	shalt  }
0x5d: {  	_ =	shalt  }
0x5e: {  	_ =	shalt  }
0x5f: {  	_ =	shalt  }
0x60: {  	_ =	shalt  }
0x61: {  	_ =	shalt  }
0x62: {  	_ =	shalt  }
0x63: {  	_ =	shalt  }
0x64: {  	_ =	shalt  }
0x65: {  	_ =	shalt  }
0x66: {  	_ =	shalt  }
0x67: {  	_ =	shalt  }
0x68: {  	_ =	shalt  }
0x69: {  	_ =	shalt  }
0x6a: {  	_ =	shalt  }
0x6b: {  	_ =	shalt  }
0x6c: {  	_ =	shalt  }
0x6d: {  	_ =	shalt  }
0x6e: {  	_ =	shalt  }
0x6f: {  	_ =	shalt  }
0x70: {  	_ =	shalt  }
0x71: {  	_ =	shalt  }
0x72: {  	_ =	shalt  }
0x73: {  	_ =	shalt  }
0x74: {  	_ =	shalt  }
0x75: {  	_ =	shalt  }
0x76: {  	_ =	shalt  }
0x77: {  	_ =	shalt  }
0x78: {  	_ =	shalt  }
0x79: {  	_ =	shalt  }
0x7a: {  	_ =	shalt  }
0x7b: {  	_ =	shalt  }
0x7c: {  	_ =	shalt  }
0x7d: {  	_ =	shalt  }
0x7e: {  	_ =	shalt  }
0x7f: {  	_ =	shalt  }
0x80: {  	_ =	shalt  }
0x81: {  	_ =	shalt  }
0x82: {  	_ =	shalt  }
0x83: {  	_ =	shalt  }
0x84: {  	_ =	shalt  }
0x85: {  	_ =	shalt  }
0x86: {  	_ =	shalt  }
0x87: {  	_ =	shalt  }
.Lfunc_end0:
.L_simem_size_0:
called_computation_lowered:
.L_overlay_start_0:
0x88: {  	s2 =	sld [smem:$0x3FD9]  }
0x89: {  	s3 =	sld [smem:$0x3FFE];
	_ =	sdelay $0x1  }
0x8a: {  	s1 =	srdreg.scid  }
0x8b: {  	s0 =	sand.u32 $0x1, s1  }
0x8c: {  	s17 =	sshll.u32 s0, $0xA;
	s2 =	sadd.s32 s3, s2  }
0x8d: {  	s2 =	sadd.s32 s2, s17  }
0x8e: {  	[smem:$0x3FBE] =	sst s2  }
0x8f: {  	_ = 	snop  }
0x90: {  	s2 =	sld [smem:$0x3FC8]  }
0x91: {  	s18 =	sld [smem:$0x3FC7]  }
0x92: {  	s4 =	sld [smem:$0x3FC6]  }
0x93: {  	s5 =	sld [smem:$0x3FC0];
	(tm) =	ssettm $0x1  }
0x94: {  	s6 =	sld [smem:$0x3FFB];
	_ =	sdelay $0x3  }
0x95: {  	_ =	strace s6  }
0x96: {  	s6 =	sld [smem:$0x3FFC];
	_ =	sdelay $0x3  }
0x97: {  	_ =	strace s6  }
0x98: {  	s6 =	sld [smem:$0x3FFD];
	_ =	sdelay $0x3  }
0x99: {  	_ =	strace s6  }
0x9a: {  	_ =	strace $0x8FFFFFFF  }
0x9b: {  	s19 =	sld [smem:$0x3FDB];
	_ =	sdelay $0x1  }
0x9c: {  	s7 =	simm.s32 $_scs_section_size  }
0x9d: {  	s8 =	simm.s32 $_size__tile_overlayer_lowered;
	s9 =	simm.s32 $_tile_overlayer_lowered  }
0x9e: {  	s22 =	simm.s32 $0x1BFF;
	s21 =	sshll.u32 s9, $0x1;
	s6 =	sadd.s32 s7, s19  }
0x9f: {  	s10 =	simm.s32 $0x0;
	s20 =	sshll.u32 s8, $0x1;
	s8 =	sadd.s32 s21, s6  }
0xa0: {  	[timem:s10], [sflag:s22] =	dma.local [hbm:s8], s20  }
0xa1: {  	_ =	swait.ge [sflag:s22], s20  }
0xa2: {  	s7 =	ssub.s32 $0x0, s20;
	[sflag:s22] =	ssyncset.done $0x0  }
0xa3: {  	[sflag:s22] =	ssyncadd.s32 s7;
	_ =	sdelay $0x1  }
0xa4: {  	s23 =	simm.s32 $0x1B8B  }
0xa5: {  	_ =	swait.ge [sflag:s23], $0x1  }
0xa6: {  	[sflag:s23] =	ssyncset.done $0x0  }
0xa7: {  	s25 =	simm.s32 $0x1B8E;
	s24 =	sld [smem:$0x3FFE];
	[sflag:s23] =	ssyncadd.s32 $0xFFFFFFFF  }
0xa8: {  	s26 =	simm.s32 $execute0_lowered;
	[smem:$0x3FD2] =	sst s25  }
0xa9: {  	s8 =	sshll.u32 s26, $0x1;
	_ =	strace $0x80000046;
	[dreg:$0x1] =	wrdreg $0xFFFFFFFF  }
0xaa: {  	s28 =	simm.s32 $_size_execute0_lowered;
	s6 =	sadd.s32 s6, s8;
	[dreg:$0x0] =	wrdreg $0x0  }
0xab: {  	s8 =	sshll.u32 s28, $0x1;
	[dreg:$0x2] =	wrdreg s6  }
0xac: {  	[dreg:$0x3] =	wrdreg s8  }
0xad: {  	[dreg:$0x4] =	wrdreg $0xC0  }
0xae: {  	_ =	task [dreg:s10], $0x5FFFF  }
0xaf: {  	[dreg:$0x1] =	wrdreg $0xFFFFFFFF  }
0xb0: {  	[dreg:$0x0] =	wrdreg $0x60  }
0xb1: {  	[dreg:$0x2] =	wrdreg s2  }
0xb2: {  	[dreg:$0x3] =	wrdreg s18  }
0xb3: {  	[dreg:$0x4] =	wrdreg s4  }
0xb4: {  	[dreg:$0x5] =	wrdreg s5  }
0xb5: {  	[dreg:$0x6] =	wrdreg s24  }
0xb6: {  	[dreg:$0x7] =	wrdreg $0x9  }
0xb7: {  	_ =	task.clear_ibuf [dreg:s10], $0x8FFFF;
	_ =	strace $0x90000046  }
0xb8: {  	s29 =	simm.s32 $0x9;
	_ =	strace $0x80000048  }
0xb9: {  	_ =	swait.ge [sflag:s29], $0x1  }
0xba: {  	[sflag:s29] =	ssyncadd.s32 $0xFFFFFFFF  }
0xbb: {  	_ =	strace $0x90000048  }
0xbc: {  	_ =	sfence  }
0xbd: {  	s30 =	sld [smem:$0x0];
	_ =	sdelay $0x2  }
0xbe: {  	s31 =	sshll.u32 s1, $0xD;
	s1 =	sshrl.u32 s1, $0x2  }
0xbf: {  	s3 =	sand.u32 $0x4000, s31;
	s1 =	sadd.s32 s1, s30  }
0xc0: {  	s0 =	sor.u32 s3, s0;
	s1 =	sshll.u32 s1, $0x11  }
0xc1: {  	s0 =	sor.u32 s1, s0  }
0xc2: {  	s0 =	sadd.s32 $0x8F2B, s0  }
0xc3: {  	[sflag:s0] =	ssyncadd.remote.s32 $0x1  }
0xc4: {  	_ =	sfence.sel $0xFFFF  }
0xc5: {  	[dreg:$0x0] =	wrdreg $0xFFFFFFFF;
	(pc) =	sbr.abs _section_cstart, $3  }
0xc6: {  	[dreg:$0x1] =	wrdreg $0xFFFFFFFF  }
0xc7: {  	_ =	task.clear_ibuf [dreg:s10], $0x2FFFF;
	_ =	strace $0x9FFFFFFF  }
0xc8: {  	(tm) =	ssettm $0x7FFFFFFF  }
0xc9: {  	_ =	shalt  }
tec
execute0_lowered:
.L_overlay_start_1:
0x0: {  	(tag) =	ssettag $0x1  }
0x1: {  	s4 =	rddreg [dreg:$0x0];
	s1 =	stileid.u32  }
0x2: {  	s2 =	rddreg [dreg:$0x1];
	p0 =	sgt.u32 s1, $0x7  }
.Ltmp0:
0x3: {  	s3 =	rddreg [dreg:$0x2];
	(pc) =	sbr.rel @p0 .LBB2_4-.Ltmp0, $4  }
0x4: {  	s5 =	rddreg [dreg:$0x3]  }
0x5: {  	s8 =	rddreg [dreg:$0x4];
	s6 =	simm.s32 $0x0  }
0x6: {  	[smem:$0x7FF] =	sst s6  }
0x7: {  	s0 =	rddreg [dreg:$0x5];
	_ =	strace $0x80000047  }
0x8: {  	s7 =	srdreg.scid  }
0x9: {  	s28 =	sshll.u32 s1, $0x1;
	s9 =	sand.u32 $0x1, s7  }
0xa: {  	s10 =	sor.u32 s9, s28  }
0xb: {  	s11 =	sshrl.u32 s1, $0x2;
	s7 =	sshll.u32 s10, $0x7  }
0xc: {  	s29 =	sshll.u32 s11, $0xA;
	s12 =	sand.u32 $0x380, s7  }
0xd: {  	s7 =	sor.u32 s29, s12  }
0xe: {  	s7 =	sshrl.u32 s7, $0x3  }
0xf: {  	s7 =	sadd.s32 s5, s7;
	s5 =	simm.s32 $0x2  }
0x10: {  	[tilespmem:s6], [sflag:$0x2] =	stream.linear.gather [hbm4b:s7+s6], $0x80, $0x38;
	[tilespmem:$0x580] =	vst v63  }
0x11: {  	_ =	swait.ge [sflag:s5], $0x80  }
0x12: {  	[sflag:s5] =	ssyncset.done $0x0  }
0x13: {  	[sflag:s5] =	ssyncadd.s32 $0xFFFFFF80  }
0x14: {  	v3 =	vld [tilespmem:$0x70];
	_ =	sdelay $0x2  }
0x15: {  	s13 =	sshll.u32 s10, $0xF  }
0x16: {  	s10 =	sshll.u32 s10, $0xE;
	v0 =	vmov s13  }
0x17: {  	s13 =	sor.u32 $0x4000, s13;
	v2 =	vmov s10;
	v4 =	vld [tilespmem:$0x60];
	v5 =	vadd.s32 v0, v3  }
0x18: {  	v1 =	vmov s13;
	v6 =	vadd.s32 v2, v3;
	[tilespmem:$0xF0] =	vst v5  }
0x19: {  	v3 =	vadd.s32 v1, v3;
	[tilespmem:$0x2F0] =	vst v6  }
0x1a: {  	[tilespmem:$0x270] =	vst v3  }
0x1b: {  	[tilespmem:$0x1F0] =	vst v5  }
0x1c: {  	v7 =	vld [tilespmem:$0x30];
	v6 =	vadd.s32 v2, v4;
	[tilespmem:$0x170] =	vst v3  }
0x1d: {  	v3 =	vadd.s32 v1, v4;
	[tilespmem:$0x2E0] =	vst v6  }
0x1e: {  	v4 =	vadd.s32 v0, v4;
	[tilespmem:$0x260] =	vst v3  }
0x1f: {  	[tilespmem:$0x1E0] =	vst v4  }
0x20: {  	[tilespmem:$0xE0] =	vst v4  }
0x21: {  	v5 =	vld [tilespmem:$0x0];
	[tilespmem:$0x160] =	vst v3;
	v3 =	vadd.s32 v2, v7  }
0x22: {  	[tilespmem:$0x2B0] =	vst v3;
	v3 =	vadd.s32 v1, v7  }
0x23: {  	v7 =	vadd.s32 v0, v7;
	[tilespmem:$0x230] =	vst v3  }
0x24: {  	[tilespmem:$0x1B0] =	vst v7  }
0x25: {  	[tilespmem:$0x130] =	vst v3  }
0x26: {  	v6 =	vld [tilespmem:$0x20];
	[tilespmem:$0xB0] =	vst v7;
	v4 =	vadd.s32 v2, v5  }
0x27: {  	[tilespmem:$0x280] =	vst v4;
	v4 =	vadd.s32 v1, v5  }
0x28: {  	v5 =	vadd.s32 v0, v5;
	[tilespmem:$0x200] =	vst v4  }
0x29: {  	v3 =	vld [tilespmem:$0x10];
	[tilespmem:$0x180] =	vst v5  }
0x2a: {  	s9 =	ssub.s32 $0x2, s9;
	v7 =	vld [tilespmem:$0x40];
	[tilespmem:$0x100] =	vst v4  }
0x2b: {  	s31 =	sshrl.u32 s9, $0x1;
	[tilespmem:$0x80] =	vst v5;
	v4 =	vadd.s32 v2, v6  }
0x2c: {  	s9 =	ssub.s32 s9, s31;
	v5 =	vadd.s32 v1, v6;
	[tilespmem:$0x2A0] =	vst v4  }
0x2d: {  	s14 =	simm.s32 $0x380;
	s20 =	smax.u32 s9, $0x1;
	[tilespmem:$0x220] =	vst v5  }
0x2e: {  	s15 =	simm.s32 $0x180;
	s30 =	smul.u32 $0x1400, s11;
	p0 =	sne.s32 s20, $0x1;
	v4 =	vadd.s32 v0, v6;
	[tilespmem:$0x120] =	vst v5;
	v5 =	vadd.s32 v2, v3  }
.Ltmp1:
0x2f: {  	s16 =	simm.s32 $0x200;
	s17 =	simm.s32 $0x480;
	v6 =	vadd.s32 v1, v7;
	v8 =	vadd.s32 v2, v7;
	[tilespmem:$0x290] =	vst v5;
	v5 =	vadd.s32 v0, v7;
	v7 =	vld [tilespmem:$0x50];
	(pc) =	sbr.rel @!p0 .LBB2_3-.Ltmp1, $4  }
0x30: {  	s18 =	simm.s32 $0x280;
	s19 =	simm.s32 $0x500;
	s10 =	sor.u32 s30, s12;
	[tilespmem:$0x1A0] =	vst v4  }
0x31: {  	s11 =	simm.s32 $0x400;
	s9 =	simm.s32 $0x80;
	s10 =	sshrl.u32 s10, $0x3;
	[tilespmem:$0xA0] =	vst v4;
	v4 =	vadd.s32 v1, v3  }
0x32: {  	s13 =	simm.s32 $0x100;
	s12 =	simm.s32 $0x1;
	s8 =	sadd.s32 s10, s8;
	v3 =	vadd.s32 v0, v3;
	[tilespmem:$0x210] =	vst v4  }
0x33: {  	s20 =	sadd.s32 $0xFFFFFFFF, s20;
	s10 =	simm.s32 $0x300;
	s8 =	sadd.s32 $0x1400, s8;
	[tilespmem:$0x190] =	vst v3  }
.LBB2_2:
0x34: {  	p0 =	sne.s32 s20, $0x1;
	s20 =	sadd.s32 $0xFFFFFFFF, s20;
	[tilespmem:$0x2C0] =	vst v8;
	v8 =	vadd.s32 v0, v7;
	v9 =	vadd.s32 v1, v7;
	v7 =	vadd.s32 v2, v7  }
0x35: {  	[tilespmem:$0x110] =	vst v4  }
0x36: {  	[tilespmem:$0x240] =	vst v6  }
0x37: {  	[tilespmem:$0x90] =	vst v3  }
0x38: {  	[tilespmem:$0x1C0] =	vst v5  }
0x39: {  	[tilespmem:$0x2D0] =	vst v7  }
0x3a: {  	[tilespmem:$0x140] =	vst v6  }
0x3b: {  	[tilespmem:$0x250] =	vst v9  }
0x3c: {  	[tilespmem:$0xC0] =	vst v5  }
0x3d: {  	[tilespmem:$0x1D0] =	vst v8  }
0x3e: {  	[tilespmem:$0x150] =	vst v9  }
0x3f: {  	[tilespmem:$0xD0] =	vst v8  }
0x40: {  	[tilespmem:s10], [sflag:$0x1] =	stream.indirect.gather [hbm4b:s4+s9], $0x1, s9, s9, $0xb8;
	[tilespmem:$0x580] =	vst v63  }
0x41: {  	_ = 	snop  }
0x42: {  	[tilespmem:s14], [sflag:$0x1] =	stream.indirect.gather [hbm4b:s4+s9], $0x1, s13, s9, $0xb8;
	[tilespmem:$0x580] =	vst v63  }
0x43: {  	_ = 	snop  }
0x44: {  	[tilespmem:s11], [sflag:$0x1] =	stream.indirect.gather [hbm4b:s2+s9], $0x1, s15, s9, $0xb8;
	[tilespmem:$0x580] =	vst v63  }
0x45: {  	_ = 	snop  }
0x46: {  	[tilespmem:s17], [sflag:$0x1] =	stream.indirect.gather [hbm4b:s2+s9], $0x1, s16, s9, $0xb8;
	[tilespmem:$0x580] =	vst v63  }
0x47: {  	_ = 	snop  }
0x48: {  	[tilespmem:s19], [sflag:$0x1] =	stream.indirect.gather [hbm4b:s3+s9], $0x1, s18, s9, $0xb8;
	[tilespmem:$0x580] =	vst v63  }
0x49: {  	_ =	swait.ge [sflag:s12], $0x80  }
0x4a: {  	[sflag:s12] =	ssyncset.done $0x0  }
0x4b: {  	[sflag:s12] =	ssyncadd.s32 $0xFFFFFF80  }
0x4c: {  	_ =	swait.ge [sflag:s12], $0x80  }
0x4d: {  	[sflag:s12] =	ssyncset.done $0x0  }
0x4e: {  	[sflag:s12] =	ssyncadd.s32 $0xFFFFFF80  }
0x4f: {  	_ =	swait.ge [sflag:s12], $0x80  }
0x50: {  	[sflag:s12] =	ssyncset.done $0x0  }
0x51: {  	[sflag:s12] =	ssyncadd.s32 $0xFFFFFF80  }
0x52: {  	_ =	swait.ge [sflag:s12], $0x80  }
0x53: {  	[sflag:s12] =	ssyncset.done $0x0  }
0x54: {  	[sflag:s12] =	ssyncadd.s32 $0xFFFFFF80  }
0x55: {  	_ =	swait.ge [sflag:s12], $0x80  }
0x56: {  	[sflag:s12] =	ssyncset.done $0x0  }
0x57: {  	[sflag:s12] =	ssyncadd.s32 $0xFFFFFF80  }
0x58: {  	[hbm4b:s8+s9] =	stream.strided.scatter [tilespmem:s10], [sflag:$0x2], $0x280, s11, s9, $0x38;
	[tilespmem:$0x580] =	vst v63  }
0x59: {  	_ =	swait.ge [sflag:s5], $0x280  }
0x5a: {  	[sflag:s5] =	ssyncset.done $0x0  }
0x5b: {  	[sflag:s5] =	ssyncadd.s32 $0xFFFFFD80  }
0x5c: {  	[tilespmem:s6], [sflag:$0x2] =	stream.linear.gather [hbm4b:s7+s6], $0x80, $0x38;
	[tilespmem:$0x580] =	vst v63  }
0x5d: {  	_ =	swait.ge [sflag:s5], $0x80  }
0x5e: {  	[sflag:s5] =	ssyncset.done $0x0  }
0x5f: {  	[sflag:s5] =	ssyncadd.s32 $0xFFFFFF80  }
0x60: {  	v3 =	vld [tilespmem:$0x70]  }
0x61: {  	v4 =	vld [tilespmem:$0x60]  }
0x62: {  	v5 =	vld [tilespmem:$0x0];
	_ =	sdelay $0x2  }
0x63: {  	v6 =	vadd.s32 v0, v3;
	v7 =	vadd.s32 v1, v3;
	v3 =	vadd.s32 v2, v3  }
0x64: {  	v8 =	vadd.s32 v0, v4;
	v9 =	vadd.s32 v1, v4;
	v4 =	vadd.s32 v2, v4;
	[tilespmem:$0xF0] =	vst v6  }
0x65: {  	v10 =	vadd.s32 v0, v5;
	v11 =	vadd.s32 v1, v5;
	v5 =	vadd.s32 v2, v5;
	v12 =	vld [tilespmem:$0x30];
	[tilespmem:$0x2F0] =	vst v3  }
0x66: {  	v3 =	vld [tilespmem:$0x20];
	[tilespmem:$0x270] =	vst v7  }
0x67: {  	v13 =	vld [tilespmem:$0x10];
	[tilespmem:$0x1F0] =	vst v6  }
0x68: {  	[tilespmem:$0x170] =	vst v7  }
0x69: {  	[tilespmem:$0x2E0] =	vst v4  }
0x6a: {  	v6 =	vadd.s32 v0, v12;
	v7 =	vadd.s32 v1, v12;
	v12 =	vadd.s32 v2, v12;
	[tilespmem:$0x260] =	vst v9  }
0x6b: {  	v14 =	vadd.s32 v0, v3;
	v15 =	vadd.s32 v1, v3;
	v16 =	vadd.s32 v2, v3;
	[tilespmem:$0x1E0] =	vst v8  }
0x6c: {  	v3 =	vadd.s32 v0, v13;
	v4 =	vadd.s32 v1, v13;
	v13 =	vadd.s32 v2, v13;
	[tilespmem:$0xE0] =	vst v8  }
0x6d: {  	[tilespmem:$0x160] =	vst v9  }
0x6e: {  	[tilespmem:$0x280] =	vst v5  }
0x6f: {  	[tilespmem:$0x2B0] =	vst v12  }
0x70: {  	[tilespmem:$0x200] =	vst v11  }
0x71: {  	[tilespmem:$0x230] =	vst v7  }
0x72: {  	[tilespmem:$0x180] =	vst v10  }
0x73: {  	[tilespmem:$0x1B0] =	vst v6  }
0x74: {  	[tilespmem:$0x100] =	vst v11  }
0x75: {  	[tilespmem:$0x130] =	vst v7  }
0x76: {  	[tilespmem:$0x80] =	vst v10;
	v7 =	vld [tilespmem:$0x40]  }
0x77: {  	[tilespmem:$0xB0] =	vst v6  }
0x78: {  	[tilespmem:$0x2A0] =	vst v16  }
0x79: {  	[tilespmem:$0x220] =	vst v15  }
0x7a: {  	[tilespmem:$0x1A0] =	vst v14  }
.Ltmp2:
0x7b: {  	[tilespmem:$0x120] =	vst v15;
	v5 =	vadd.s32 v0, v7;
	v6 =	vadd.s32 v1, v7;
	v8 =	vadd.s32 v2, v7;
	v7 =	vld [tilespmem:$0x50];
	(pc) =	sbr.rel @p0 .LBB2_2-.Ltmp2, $4  }
0x7c: {  	[tilespmem:$0xA0] =	vst v14  }
0x7d: {  	[tilespmem:$0x290] =	vst v13  }
0x7e: {  	[tilespmem:$0x210] =	vst v4  }
0x7f: {  	[tilespmem:$0x190] =	vst v3  }
.LBB2_3:
0x80: {  	[tilespmem:$0x2C0] =	vst v8  }
0x81: {  	[tilespmem:$0x110] =	vst v4  }
0x82: {  	[tilespmem:$0x240] =	vst v6  }
0x83: {  	[tilespmem:$0x90] =	vst v3  }
0x84: {  	[tilespmem:$0x1C0] =	vst v5  }
0x85: {  	[tilespmem:$0x140] =	vst v6  }
0x86: {  	v2 =	vadd.s32 v2, v7;
	[tilespmem:$0xC0] =	vst v5  }
0x87: {  	v1 =	vadd.s32 v1, v7;
	[tilespmem:$0x2D0] =	vst v2  }
0x88: {  	v0 =	vadd.s32 v0, v7;
	[tilespmem:$0x250] =	vst v1  }
0x89: {  	[tilespmem:$0x1D0] =	vst v0  }
0x8a: {  	[tilespmem:$0x150] =	vst v1  }
0x8b: {  	[tilespmem:$0xD0] =	vst v0  }
0x8c: {  	[tilespmem:s10], [sflag:$0x1] =	stream.indirect.gather [hbm4b:s4+s9], $0x1, s9, s9, $0xb8;
	[tilespmem:$0x580] =	vst v63  }
0x8d: {  	_ = 	snop  }
0x8e: {  	[tilespmem:s14], [sflag:$0x1] =	stream.indirect.gather [hbm4b:s4+s9], $0x1, s13, s9, $0xb8;
	[tilespmem:$0x580] =	vst v63  }
0x8f: {  	_ = 	snop  }
0x90: {  	[tilespmem:s11], [sflag:$0x1] =	stream.indirect.gather [hbm4b:s2+s9], $0x1, s15, s9, $0xb8;
	[tilespmem:$0x580] =	vst v63  }
0x91: {  	_ = 	snop  }
0x92: {  	[tilespmem:s17], [sflag:$0x1] =	stream.indirect.gather [hbm4b:s2+s9], $0x1, s16, s9, $0xb8;
	[tilespmem:$0x580] =	vst v63  }
0x93: {  	_ = 	snop  }
0x94: {  	[tilespmem:s19], [sflag:$0x1] =	stream.indirect.gather [hbm4b:s3+s9], $0x1, s18, s9, $0xb8;
	[tilespmem:$0x580] =	vst v63  }
0x95: {  	_ =	swait.ge [sflag:s12], $0x80  }
0x96: {  	[sflag:s12] =	ssyncset.done $0x0  }
0x97: {  	[sflag:s12] =	ssyncadd.s32 $0xFFFFFF80  }
0x98: {  	_ =	swait.ge [sflag:s12], $0x80  }
0x99: {  	[sflag:s12] =	ssyncset.done $0x0  }
0x9a: {  	[sflag:s12] =	ssyncadd.s32 $0xFFFFFF80  }
0x9b: {  	_ =	swait.ge [sflag:s12], $0x80  }
0x9c: {  	[sflag:s12] =	ssyncset.done $0x0  }
0x9d: {  	[sflag:s12] =	ssyncadd.s32 $0xFFFFFF80  }
0x9e: {  	_ =	swait.ge [sflag:s12], $0x80  }
0x9f: {  	[sflag:s12] =	ssyncset.done $0x0  }
0xa0: {  	[sflag:s12] =	ssyncadd.s32 $0xFFFFFF80  }
0xa1: {  	_ =	swait.ge [sflag:s12], $0x80  }
0xa2: {  	[sflag:s12] =	ssyncset.done $0x0  }
0xa3: {  	[sflag:s12] =	ssyncadd.s32 $0xFFFFFF80  }
0xa4: {  	[hbm4b:s8+s9] =	stream.strided.scatter [tilespmem:s10], [sflag:$0x2], $0x280, s11, s9, $0x38;
	[tilespmem:$0x580] =	vst v63  }
0xa5: {  	_ =	swait.ge [sflag:s5], $0x280  }
0xa6: {  	[sflag:s5] =	ssyncset.done $0x0  }
0xa7: {  	[sflag:s5] =	ssyncadd.s32 $0xFFFFFD80  }
.LBB2_4:
0xa8: {  	_ =	sfence.sel $0x180000  }
0xa9: {  	[bflag:$0x0] =	sbarrier.arrive $0xFFFF  }
0xaa: {  	p0 =	sne.s32 s1, $0x0;
	_ =	strace $0x90000047  }
0xab: {  	s0 =	sadd.s32 @!p0 $0x100000, s0;
	[bflag:$0x2] =	sbarrier.arrive $0xFFFF  }
0xac: {  	[sflag:s0] =	ssyncadd.tile.s32 @!p0 $0x1;
	_ =	shalt  }
.Lfunc_end2:
_tile_overlayer_lowered:
.L_overlay_start_2:
0xad: {  	(tag) =	ssettag $0x2  }
0xae: {  	s0 =	rddreg [dreg:$0x0];
	s2 =	stileid.u32  }
0xaf: {  	s1 =	rddreg [dreg:$0x1];
	p0 =	sne.s32 s2, $0x0  }
0xb0: {  	s3 =	rddreg [dreg:$0x2];
	[bflag:$0x3] =	sbarrier.arrive $0xFFFF;
	s2 =	simm.s32 @!p0 $0x1C02  }
0xb1: {  	[timem:s3], [sflag:s2] =	dma.local @!p0 [hbm:s0], s1  }
0xb2: {  	s0 =	simm.s32 @!p0 $0x2  }
0xb3: {  	_ =	swait.ge @!p0 [sflag:s0], s1  }
0xb4: {  	s1 =	ssub.s32 @!p0 $0x0, s1;
	[sflag:s0] =	ssyncset.done @!p0 $0x0  }
0xb5: {  	[sflag:s0] =	ssyncadd.s32 @!p0 s1  }
0xb6: {  	[bflag:$0x3] =	sbarrier.arrive $0xFFFF  }
0xb7: {  	_ =	shalt  }

</sc_bundles>
